<compile_context>
chip_gen: v7x
topology: tpu7x:2x2x1
jax: 0.10.2.dev20260603
libtpu: 0.0.44.dev20260713+nightly
codegen_flags: <defaults>
</compile_context>

<pallas_src>
import jax
import jax.numpy as jnp
from jax import lax
from jax.experimental import pallas as pl
from jax.experimental.pallas import tpu as pltpu
from jax.experimental.pallas import tpu_sc as plsc

E = 320000
V = 10000
D = 128
L = 16
NC, NS = 2, 16
NW = NC * NS
E_PER_W = E // NW
V_PER_S = V // NS
C = 80
N_CHUNKS = E_PER_W // C
G = C // L


def _sc_body(hd, hs, didx, sidx, out, hd_sh, hs_sh, didx_v, sidx_v,
             a_v, b_v, out_v, sem_a, sem_b, sem_o):
    sid = lax.axis_index("s")
    wid = sid * NC + lax.axis_index("c")
    base = wid * E_PER_W

    row0 = sid * V_PER_S
    pltpu.sync_copy(hd.at[pl.ds(row0, V_PER_S)], hd_sh.at[pl.ds(row0, V_PER_S)])
    pltpu.sync_copy(hs.at[pl.ds(row0, V_PER_S)], hs_sh.at[pl.ds(row0, V_PER_S)])
    pltpu.sync_copy(didx.at[pl.ds(base, E_PER_W)], didx_v)
    pltpu.sync_copy(sidx.at[pl.ds(base, E_PER_W)], sidx_v)
    plsc.subcore_barrier()

    lanes = lax.iota(jnp.int32, L)

    def issue_gathers(i, slot):
        off = i * C
        pltpu.async_copy(hd_sh.at[didx_v.at[pl.ds(off, C)]], a_v.at[slot],
                         sem_a.at[slot])
        pltpu.async_copy(hs_sh.at[sidx_v.at[pl.ds(off, C)]], b_v.at[slot],
                         sem_b.at[slot])

    issue_gathers(0, 0)

    def chunk_body(i, _):
        slot = lax.rem(i, 2)
        off = i * C

        @pl.when(i + 1 < N_CHUNKS)
        def _():
            issue_gathers(i + 1, lax.rem(i + 1, 2))

        pltpu.make_async_copy(hd_sh.at[didx_v.at[pl.ds(off, C)]],
                              a_v.at[slot], sem_a.at[slot]).wait()
        pltpu.make_async_copy(hs_sh.at[sidx_v.at[pl.ds(off, C)]],
                              b_v.at[slot], sem_b.at[slot]).wait()

        @pl.when(i >= 2)
        def _():
            pltpu.make_async_copy(
                out_v.at[slot], out.at[pl.ds(base + off - 2 * C, C)],
                sem_o.at[slot]).wait()

        def group_body(g, _):
            e0 = g * L
            vec = jnp.zeros((L,), jnp.float32)
            for l in range(L):
                e = e0 + l
                a2 = plsc.bitcast(a_v[slot, e, pl.ds(0, L)], jnp.bfloat16)
                b2 = plsc.bitcast(b_v[slot, e, pl.ds(0, L)], jnp.bfloat16)
                acc2 = a2 * b2
                for j in range(1, D // (2 * L)):
                    a2 = plsc.bitcast(a_v[slot, e, pl.ds(j * L, L)],
                                      jnp.bfloat16)
                    b2 = plsc.bitcast(b_v[slot, e, pl.ds(j * L, L)],
                                      jnp.bfloat16)
                    acc2 = acc2 + a2 * b2
                p0, p1 = plsc.unpack(acc2,
                                     format=plsc.PackFormat.INTERLEAVED,
                                     preferred_element_type=jnp.float32)
                s = lax.reduce_sum(p0 + p1, axes=(0,))
                vec = jnp.where(lanes == l, s, vec)
            out_v[slot, pl.ds(e0, L)] = vec
            return ()

        lax.fori_loop(0, G, group_body, (), unroll=False)
        pltpu.async_copy(out_v.at[slot], out.at[pl.ds(base + off, C)],
                         sem_o.at[slot])
        return ()

    lax.fori_loop(0, N_CHUNKS, chunk_body, (), unroll=False)

    for k in (N_CHUNKS - 2, N_CHUNKS - 1):
        pltpu.make_async_copy(out_v.at[k % 2],
                              out.at[pl.ds(base + k * C, C)],
                              sem_o.at[k % 2]).wait()


@jax.jit
def _link_predict(h_drug, h_disease, d_idx, dis_idx):
    mesh = plsc.VectorSubcoreMesh(core_axis_name="c", subcore_axis_name="s",
                                  num_cores=NC, num_subcores=NS)
    return pl.kernel(
        _sc_body,
        out_type=jax.ShapeDtypeStruct((E,), jnp.float32),
        mesh=mesh,
        compiler_params=pltpu.CompilerParams(needs_layout_passes=False,
                                             use_tc_tiling_on_sc=False),
        scratch_types=[
            pltpu.VMEM_SHARED((V, D // 2), jnp.int32),
            pltpu.VMEM_SHARED((V, D // 2), jnp.int32),
            pltpu.VMEM((E_PER_W,), jnp.int32),
            pltpu.VMEM((E_PER_W,), jnp.int32),
            pltpu.VMEM((2, C, D // 2), jnp.int32),
            pltpu.VMEM((2, C, D // 2), jnp.int32),
            pltpu.VMEM((2, C), jnp.float32),
            pltpu.SemaphoreType.DMA((2,)),
            pltpu.SemaphoreType.DMA((2,)),
            pltpu.SemaphoreType.DMA((2,)),
        ],
    )(h_drug, h_disease, d_idx, dis_idx)


def _pack_table(h):
    u = lax.bitcast_convert_type(h, jnp.uint32)
    lo, hi = u[:, : D // 2], u[:, D // 2 :]
    half = jnp.uint32(0x7FFF)
    rlo = lo + half + ((lo >> 16) & jnp.uint32(1))
    rhi = hi + half + ((hi >> 16) & jnp.uint32(1))
    packed = (rhi & jnp.uint32(0xFFFF0000)) | (rlo >> 16)
    return lax.bitcast_convert_type(packed, jnp.int32)


def kernel(h_drug, h_disease, edges):
    e32 = edges.astype(jnp.int32)
    return _link_predict(_pack_table(h_drug), _pack_table(h_disease),
                         e32[:, 0], e32[:, 1])

# --- scband reference (transcript-rebuilt; emitter-appended) ---
"""Pipeline reference for scband-link-predictor-3539053052203 (READ-ONLY COPY).

The authoritative reference and input builder live on the scoring server;
editing this copy changes nothing except your own understanding.
"""

import jax, jax.numpy as jnp
import numpy as np


def setup_inputs(seed: int = 0) -> dict:
    key = jax.random.key(seed)
    k1, k2, k3 = jax.random.split(key, 3)
    h_drug = jax.random.normal(k1, (10000, 128), dtype=jnp.float32)
    h_disease = jax.random.normal(k2, (10000, 128), dtype=jnp.float32)
    edges = jax.random.randint(k3, (320000, 2), 0, 10000, dtype=jnp.int64)
    return {"h_drug": h_drug, "h_disease": h_disease, "edges": edges}


def reference(h_drug, h_disease, edges):
    d_idx = edges[:, 0]
    dis_idx = edges[:, 1]
    # gather rows from both embedding tables, elementwise multiply, reduce over feature dim
    return (jnp.take(h_drug, d_idx, axis=0) * jnp.take(h_disease, dis_idx, axis=0)).sum(axis=1)

if __name__ == "__main__":
    import jax
    _d = setup_inputs()
    print(jax.jit(kernel)(*tuple(_d.values())))

</pallas_src>

<mosaic_0001>
#map = affine_map<(d0, d1) -> (0, 0)>
#map1 = affine_map<(d0, d1) -> (0)>
module attributes {stable_mosaic.version = 14 : i64} {
  func.func @_sc_body(%arg0: i32, %arg1: i32, %arg2: memref<10000x64xi32, #tpu.memory_space<hbm>>, %arg3: memref<10000x64xi32, #tpu.memory_space<hbm>>, %arg4: memref<320000xi32, #tpu.memory_space<hbm>>, %arg5: memref<320000xi32, #tpu.memory_space<hbm>>, %arg6: memref<320000xf32, #tpu.memory_space<hbm>>, %arg7: memref<10000x64xi32, #tpu.memory_space<vmem_shared>>, %arg8: memref<10000x64xi32, #tpu.memory_space<vmem_shared>>, %arg9: memref<10000xi32, #tpu.memory_space<vmem>>, %arg10: memref<10000xi32, #tpu.memory_space<vmem>>, %arg11: memref<2x80x64xi32, #tpu.memory_space<vmem>>, %arg12: memref<2x80x64xi32, #tpu.memory_space<vmem>>, %arg13: memref<2x80xf32, #tpu.memory_space<vmem>>, %arg14: memref<2x!tpu.dma_semaphore, #tpu.memory_space<semaphore_mem>>, %arg15: memref<2x!tpu.dma_semaphore, #tpu.memory_space<semaphore_mem>>, %arg16: memref<2x!tpu.dma_semaphore, #tpu.memory_space<semaphore_mem>>) attributes {dimension_semantics = [#tpu.dimension_semantics<core_parallel>, #tpu.dimension_semantics<subcore_parallel>], iteration_bounds = array<i64: 2, 16>, scalar_prefetch = 0 : i64, scratch_operands = 10 : i64, tpu.core_type = #tpu.core_type<sc_vector_subcore>, window_params = [{transform_indices = #map}, {transform_indices = #map}, {transform_indices = #map1}, {transform_indices = #map1}, {transform_indices = #map1}]} {
    %mul3A = arith.constant 2 : i32
    %mul3A_0 = arith.muli %arg1, %mul3A : i32
    %add3A = arith.addi %mul3A_0, %arg0 : i32
    %mul3A_1 = arith.constant 10000 : i32
    %mul3A_2 = arith.muli %add3A, %mul3A_1 : i32
    %mul3A_3 = arith.constant 625 : i32
    %mul3A_4 = arith.muli %arg1, %mul3A_3 : i32
    "tpu.region"() ({
      %run_scoped3A = tpu.sem_alloc : memref<!tpu.dma_semaphore, #tpu.memory_space<semaphore_mem>>
      %dma_start3A_61 = arith.constant 0 : i32
      %dma_start3A_62 = tpu.memref_slice %arg7[%mul3A_4, %dma_start3A_61] : memref<10000x64xi32, #tpu.memory_space<vmem_shared>> -> memref<625x64xi32, #tpu.memory_space<vmem_shared>>
      %dma_start3A_63 = arith.constant 0 : i32
      %dma_start3A_64 = tpu.memref_slice %arg2[%mul3A_4, %dma_start3A_63] : memref<10000x64xi32, #tpu.memory_space<hbm>> -> memref<625x64xi32, #tpu.memory_space<hbm>>
      tpu.enqueue_dma source(%dma_start3A_64 : memref<625x64xi32, #tpu.memory_space<hbm>>) target(%dma_start3A_62 : memref<625x64xi32, #tpu.memory_space<vmem_shared>>) target_semaphore(%run_scoped3A : memref<!tpu.dma_semaphore, #tpu.memory_space<semaphore_mem>>)
      %dma_wait3A_65 = arith.constant 0 : i32
      %dma_wait3A_66 = tpu.memref_slice %arg7[%mul3A_4, %dma_wait3A_65] : memref<10000x64xi32, #tpu.memory_space<vmem_shared>> -> memref<625x64xi32, #tpu.memory_space<vmem_shared>>
      %dma_wait3A_67 = arith.constant 0 : i32
      %dma_wait3A_68 = tpu.memref_slice %arg2[%mul3A_4, %dma_wait3A_67] : memref<10000x64xi32, #tpu.memory_space<hbm>> -> memref<625x64xi32, #tpu.memory_space<hbm>>
      tpu.wait_dma2 semaphore(%run_scoped3A : memref<!tpu.dma_semaphore, #tpu.memory_space<semaphore_mem>>) src(%dma_wait3A_68 : memref<625x64xi32, #tpu.memory_space<hbm>>) dst(%dma_wait3A_66 : memref<625x64xi32, #tpu.memory_space<vmem_shared>>)
      tpu.yield
    }) : () -> ()
    "tpu.region"() ({
      %run_scoped3A = tpu.sem_alloc : memref<!tpu.dma_semaphore, #tpu.memory_space<semaphore_mem>>
      %dma_start3A_61 = arith.constant 0 : i32
      %dma_start3A_62 = tpu.memref_slice %arg8[%mul3A_4, %dma_start3A_61] : memref<10000x64xi32, #tpu.memory_space<vmem_shared>> -> memref<625x64xi32, #tpu.memory_space<vmem_shared>>
      %dma_start3A_63 = arith.constant 0 : i32
      %dma_start3A_64 = tpu.memref_slice %arg3[%mul3A_4, %dma_start3A_63] : memref<10000x64xi32, #tpu.memory_space<hbm>> -> memref<625x64xi32, #tpu.memory_space<hbm>>
      tpu.enqueue_dma source(%dma_start3A_64 : memref<625x64xi32, #tpu.memory_space<hbm>>) target(%dma_start3A_62 : memref<625x64xi32, #tpu.memory_space<vmem_shared>>) target_semaphore(%run_scoped3A : memref<!tpu.dma_semaphore, #tpu.memory_space<semaphore_mem>>)
      %dma_wait3A_65 = arith.constant 0 : i32
      %dma_wait3A_66 = tpu.memref_slice %arg8[%mul3A_4, %dma_wait3A_65] : memref<10000x64xi32, #tpu.memory_space<vmem_shared>> -> memref<625x64xi32, #tpu.memory_space<vmem_shared>>
      %dma_wait3A_67 = arith.constant 0 : i32
      %dma_wait3A_68 = tpu.memref_slice %arg3[%mul3A_4, %dma_wait3A_67] : memref<10000x64xi32, #tpu.memory_space<hbm>> -> memref<625x64xi32, #tpu.memory_space<hbm>>
      tpu.wait_dma2 semaphore(%run_scoped3A : memref<!tpu.dma_semaphore, #tpu.memory_space<semaphore_mem>>) src(%dma_wait3A_68 : memref<625x64xi32, #tpu.memory_space<hbm>>) dst(%dma_wait3A_66 : memref<625x64xi32, #tpu.memory_space<vmem_shared>>)
      tpu.yield
    }) : () -> ()
    "tpu.region"() ({
      %run_scoped3A = tpu.sem_alloc : memref<!tpu.dma_semaphore, #tpu.memory_space<semaphore_mem>>
      %dma_start3A_61 = tpu.memref_slice %arg4[%mul3A_2] : memref<320000xi32, #tpu.memory_space<hbm>> -> memref<10000xi32, #tpu.memory_space<hbm>>
      %dma_start3A_62 = tpu.memref_slice %arg4[%mul3A_2] : memref<320000xi32, #tpu.memory_space<hbm>> -> memref<10000xi32, #tpu.memory_space<hbm>>
      tpu.enqueue_dma source(%dma_start3A_62 : memref<10000xi32, #tpu.memory_space<hbm>>) target(%arg9 : memref<10000xi32, #tpu.memory_space<vmem>>) target_semaphore(%run_scoped3A : memref<!tpu.dma_semaphore, #tpu.memory_space<semaphore_mem>>)
      %dma_wait3A_63 = tpu.memref_slice %arg4[%mul3A_2] : memref<320000xi32, #tpu.memory_space<hbm>> -> memref<10000xi32, #tpu.memory_space<hbm>>
      %dma_wait3A_64 = tpu.memref_slice %arg4[%mul3A_2] : memref<320000xi32, #tpu.memory_space<hbm>> -> memref<10000xi32, #tpu.memory_space<hbm>>
      tpu.wait_dma2 semaphore(%run_scoped3A : memref<!tpu.dma_semaphore, #tpu.memory_space<semaphore_mem>>) src(%dma_wait3A_64 : memref<10000xi32, #tpu.memory_space<hbm>>) dst(%arg9 : memref<10000xi32, #tpu.memory_space<vmem>>)
      tpu.yield
    }) : () -> ()
    "tpu.region"() ({
      %run_scoped3A = tpu.sem_alloc : memref<!tpu.dma_semaphore, #tpu.memory_space<semaphore_mem>>
      %dma_start3A_61 = tpu.memref_slice %arg5[%mul3A_2] : memref<320000xi32, #tpu.memory_space<hbm>> -> memref<10000xi32, #tpu.memory_space<hbm>>
      %dma_start3A_62 = tpu.memref_slice %arg5[%mul3A_2] : memref<320000xi32, #tpu.memory_space<hbm>> -> memref<10000xi32, #tpu.memory_space<hbm>>
      tpu.enqueue_dma source(%dma_start3A_62 : memref<10000xi32, #tpu.memory_space<hbm>>) target(%arg10 : memref<10000xi32, #tpu.memory_space<vmem>>) target_semaphore(%run_scoped3A : memref<!tpu.dma_semaphore, #tpu.memory_space<semaphore_mem>>)
      %dma_wait3A_63 = tpu.memref_slice %arg5[%mul3A_2] : memref<320000xi32, #tpu.memory_space<hbm>> -> memref<10000xi32, #tpu.memory_space<hbm>>
      %dma_wait3A_64 = tpu.memref_slice %arg5[%mul3A_2] : memref<320000xi32, #tpu.memory_space<hbm>> -> memref<10000xi32, #tpu.memory_space<hbm>>
      tpu.wait_dma2 semaphore(%run_scoped3A : memref<!tpu.dma_semaphore, #tpu.memory_space<semaphore_mem>>) src(%dma_wait3A_64 : memref<10000xi32, #tpu.memory_space<hbm>>) dst(%arg10 : memref<10000xi32, #tpu.memory_space<vmem>>)
      tpu.yield
    }) : () -> ()
    %barrier3A = arith.constant 0 : index
    tpu.barrier barrier_id(%barrier3A)
    %iota3A = tpu.iota {dimensions = array<i32: 0>} : vector<16xi32>
    %dma_start3A = arith.constant 0 : i32
    %dma_start3A_5 = arith.constant 0 : i32
    %dma_start3A_6 = arith.constant 0 : i32
    %dma_start3A_7 = arith.constant 0 : i32
    %dma_start3A_8 = tpu.memref_slice %arg11[%dma_start3A, %dma_start3A_6, %dma_start3A_7] : memref<2x80x64xi32, #tpu.memory_space<vmem>> -> memref<1x80x64xi32, #tpu.memory_space<vmem>>
    %dma_start3A_9 = tpu.memref_squeeze %dma_start3A_8 : memref<1x80x64xi32, #tpu.memory_space<vmem>> -> memref<80x64xi32, #tpu.memory_space<vmem>>
    %dma_start3A_10 = arith.constant 0 : i32
    %dma_start3A_11 = tpu.memref_slice %arg9[%dma_start3A_10] : memref<10000xi32, #tpu.memory_space<vmem>> -> memref<80xi32, #tpu.memory_space<vmem>>
    %dma_start3A_12 = arith.constant 0 : i32
    %dma_start3A_13 = arith.constant 0 : i32
    %dma_start3A_14 = tpu.memref_slice %arg7[%dma_start3A_12, %dma_start3A_13] : memref<10000x64xi32, #tpu.memory_space<vmem_shared>> -> memref<10000x64xi32, #tpu.memory_space<vmem_shared>>
    %dma_start3A_15 = tpu.memref_slice %arg14[%dma_start3A_5] : memref<2x!tpu.dma_semaphore, #tpu.memory_space<semaphore_mem>> -> memref<1x!tpu.dma_semaphore, #tpu.memory_space<semaphore_mem>>
    %dma_start3A_16 = tpu.memref_squeeze %dma_start3A_15 : memref<1x!tpu.dma_semaphore, #tpu.memory_space<semaphore_mem>> -> memref<!tpu.dma_semaphore, #tpu.memory_space<semaphore_mem>>
    tpu.enqueue_indirect_dma source(%dma_start3A_14 : memref<10000x64xi32, #tpu.memory_space<vmem_shared>>) target(%dma_start3A_9 : memref<80x64xi32, #tpu.memory_space<vmem>>) offsets(%dma_start3A_11 : memref<80xi32, #tpu.memory_space<vmem>>) semaphore(%dma_start3A_16 : memref<!tpu.dma_semaphore, #tpu.memory_space<semaphore_mem>>)
    %dma_start3A_17 = arith.constant 0 : i32
    %dma_start3A_18 = arith.constant 0 : i32
    %dma_start3A_19 = arith.constant 0 : i32
    %dma_start3A_20 = arith.constant 0 : i32
    %dma_start3A_21 = tpu.memref_slice %arg12[%dma_start3A_17, %dma_start3A_19, %dma_start3A_20] : memref<2x80x64xi32, #tpu.memory_space<vmem>> -> memref<1x80x64xi32, #tpu.memory_space<vmem>>
    %dma_start3A_22 = tpu.memref_squeeze %dma_start3A_21 : memref<1x80x64xi32, #tpu.memory_space<vmem>> -> memref<80x64xi32, #tpu.memory_space<vmem>>
    %dma_start3A_23 = arith.constant 0 : i32
    %dma_start3A_24 = tpu.memref_slice %arg10[%dma_start3A_23] : memref<10000xi32, #tpu.memory_space<vmem>> -> memref<80xi32, #tpu.memory_space<vmem>>
    %dma_start3A_25 = arith.constant 0 : i32
    %dma_start3A_26 = arith.constant 0 : i32
    %dma_start3A_27 = tpu.memref_slice %arg8[%dma_start3A_25, %dma_start3A_26] : memref<10000x64xi32, #tpu.memory_space<vmem_shared>> -> memref<10000x64xi32, #tpu.memory_space<vmem_shared>>
    %dma_start3A_28 = tpu.memref_slice %arg15[%dma_start3A_18] : memref<2x!tpu.dma_semaphore, #tpu.memory_space<semaphore_mem>> -> memref<1x!tpu.dma_semaphore, #tpu.memory_space<semaphore_mem>>
    %dma_start3A_29 = tpu.memref_squeeze %dma_start3A_28 : memref<1x!tpu.dma_semaphore, #tpu.memory_space<semaphore_mem>> -> memref<!tpu.dma_semaphore, #tpu.memory_space<semaphore_mem>>
    tpu.enqueue_indirect_dma source(%dma_start3A_27 : memref<10000x64xi32, #tpu.memory_space<vmem_shared>>) target(%dma_start3A_22 : memref<80x64xi32, #tpu.memory_space<vmem>>) offsets(%dma_start3A_24 : memref<80xi32, #tpu.memory_space<vmem>>) semaphore(%dma_start3A_29 : memref<!tpu.dma_semaphore, #tpu.memory_space<semaphore_mem>>)
    %scan3A = arith.constant 0 : i32
    %scan3A_30 = arith.constant 125 : i32
    %scan3A_31 = arith.addi %scan3A, %scan3A_30 : i32
    %scan3A_32 = arith.constant 1 : i32
    scf.for %scan3A_61 = %scan3A to %scan3A_31 step %scan3A_32  : i32 {
      %rem3A = arith.constant 2 : i32
      %rem3A_62 = arith.remsi %scan3A_61, %rem3A : i32
      %mul3A_63 = arith.constant 80 : i32
      %mul3A_64 = arith.muli %scan3A_61, %mul3A_63 : i32
      %add3A_65 = arith.constant 1 : i32
      %add3A_66 = arith.addi %scan3A_61, %add3A_65 : i32
      %lt3A = arith.constant 125 : i32
      %lt3A_67 = arith.cmpi slt, %add3A_66, %lt3A : i32
      %convert_element_type3A = arith.extui %lt3A_67 : i1 to i32
      %cond3A = arith.constant 0 : i32
      %cond3A_68 = arith.cmpi ne, %convert_element_type3A, %cond3A : i32
      scf.if %cond3A_68 {
        %add3A_109 = arith.constant 1 : i32
        %add3A_110 = arith.addi %scan3A_61, %add3A_109 : i32
        %add3A_111 = arith.constant 1 : i32
        %add3A_112 = arith.addi %scan3A_61, %add3A_111 : i32
        %rem3A_113 = arith.constant 2 : i32
        %rem3A_114 = arith.remsi %add3A_112, %rem3A_113 : i32
        %mul3A_115 = arith.constant 80 : i32
        %mul3A_116 = arith.muli %add3A_110, %mul3A_115 : i32
        %dma_start3A_117 = arith.constant 0 : i32
        %dma_start3A_118 = arith.constant 0 : i32
        %dma_start3A_119 = tpu.memref_slice %arg11[%rem3A_114, %dma_start3A_117, %dma_start3A_118] : memref<2x80x64xi32, #tpu.memory_space<vmem>> -> memref<1x80x64xi32, #tpu.memory_space<vmem>>
        %dma_start3A_120 = tpu.memref_squeeze %dma_start3A_119 : memref<1x80x64xi32, #tpu.memory_space<vmem>> -> memref<80x64xi32, #tpu.memory_space<vmem>>
        %dma_start3A_121 = tpu.memref_slice %arg9[%mul3A_116] : memref<10000xi32, #tpu.memory_space<vmem>> -> memref<80xi32, #tpu.memory_space<vmem>>
        %dma_start3A_122 = arith.constant 0 : i32
        %dma_start3A_123 = arith.constant 0 : i32
        %dma_start3A_124 = tpu.memref_slice %arg7[%dma_start3A_122, %dma_start3A_123] : memref<10000x64xi32, #tpu.memory_space<vmem_shared>> -> memref<10000x64xi32, #tpu.memory_space<vmem_shared>>
        %dma_start3A_125 = tpu.memref_slice %arg14[%rem3A_114] : memref<2x!tpu.dma_semaphore, #tpu.memory_space<semaphore_mem>> -> memref<1x!tpu.dma_semaphore, #tpu.memory_space<semaphore_mem>>
        %dma_start3A_126 = tpu.memref_squeeze %dma_start3A_125 : memref<1x!tpu.dma_semaphore, #tpu.memory_space<semaphore_mem>> -> memref<!tpu.dma_semaphore, #tpu.memory_space<semaphore_mem>>
        tpu.enqueue_indirect_dma source(%dma_start3A_124 : memref<10000x64xi32, #tpu.memory_space<vmem_shared>>) target(%dma_start3A_120 : memref<80x64xi32, #tpu.memory_space<vmem>>) offsets(%dma_start3A_121 : memref<80xi32, #tpu.memory_space<vmem>>) semaphore(%dma_start3A_126 : memref<!tpu.dma_semaphore, #tpu.memory_space<semaphore_mem>>)
        %dma_start3A_127 = arith.constant 0 : i32
        %dma_start3A_128 = arith.constant 0 : i32
        %dma_start3A_129 = tpu.memref_slice %arg12[%rem3A_114, %dma_start3A_127, %dma_start3A_128] : memref<2x80x64xi32, #tpu.memory_space<vmem>> -> memref<1x80x64xi32, #tpu.memory_space<vmem>>
        %dma_start3A_130 = tpu.memref_squeeze %dma_start3A_129 : memref<1x80x64xi32, #tpu.memory_space<vmem>> -> memref<80x64xi32, #tpu.memory_space<vmem>>
        %dma_start3A_131 = tpu.memref_slice %arg10[%mul3A_116] : memref<10000xi32, #tpu.memory_space<vmem>> -> memref<80xi32, #tpu.memory_space<vmem>>
        %dma_start3A_132 = arith.constant 0 : i32
        %dma_start3A_133 = arith.constant 0 : i32
        %dma_start3A_134 = tpu.memref_slice %arg8[%dma_start3A_132, %dma_start3A_133] : memref<10000x64xi32, #tpu.memory_space<vmem_shared>> -> memref<10000x64xi32, #tpu.memory_space<vmem_shared>>
        %dma_start3A_135 = tpu.memref_slice %arg15[%rem3A_114] : memref<2x!tpu.dma_semaphore, #tpu.memory_space<semaphore_mem>> -> memref<1x!tpu.dma_semaphore, #tpu.memory_space<semaphore_mem>>
        %dma_start3A_136 = tpu.memref_squeeze %dma_start3A_135 : memref<1x!tpu.dma_semaphore, #tpu.memory_space<semaphore_mem>> -> memref<!tpu.dma_semaphore, #tpu.memory_space<semaphore_mem>>
        tpu.enqueue_indirect_dma source(%dma_start3A_134 : memref<10000x64xi32, #tpu.memory_space<vmem_shared>>) target(%dma_start3A_130 : memref<80x64xi32, #tpu.memory_space<vmem>>) offsets(%dma_start3A_131 : memref<80xi32, #tpu.memory_space<vmem>>) semaphore(%dma_start3A_136 : memref<!tpu.dma_semaphore, #tpu.memory_space<semaphore_mem>>)
      } else {
      }
      %dma_wait3A_69 = arith.constant 0 : i32
      %dma_wait3A_70 = arith.constant 0 : i32
      %dma_wait3A_71 = tpu.memref_slice %arg11[%rem3A_62, %dma_wait3A_69, %dma_wait3A_70] : memref<2x80x64xi32, #tpu.memory_space<vmem>> -> memref<1x80x64xi32, #tpu.memory_space<vmem>>
      %dma_wait3A_72 = tpu.memref_squeeze %dma_wait3A_71 : memref<1x80x64xi32, #tpu.memory_space<vmem>> -> memref<80x64xi32, #tpu.memory_space<vmem>>
      %dma_wait3A_73 = tpu.memref_slice %arg9[%mul3A_64] : memref<10000xi32, #tpu.memory_space<vmem>> -> memref<80xi32, #tpu.memory_space<vmem>>
      %dma_wait3A_74 = arith.constant 0 : i32
      %dma_wait3A_75 = arith.constant 0 : i32
      %dma_wait3A_76 = tpu.memref_slice %arg7[%dma_wait3A_74, %dma_wait3A_75] : memref<10000x64xi32, #tpu.memory_space<vmem_shared>> -> memref<10000x64xi32, #tpu.memory_space<vmem_shared>>
      %dma_wait3A_77 = tpu.memref_slice %arg14[%rem3A_62] : memref<2x!tpu.dma_semaphore, #tpu.memory_space<semaphore_mem>> -> memref<1x!tpu.dma_semaphore, #tpu.memory_space<semaphore_mem>>
      %dma_wait3A_78 = tpu.memref_squeeze %dma_wait3A_77 : memref<1x!tpu.dma_semaphore, #tpu.memory_space<semaphore_mem>> -> memref<!tpu.dma_semaphore, #tpu.memory_space<semaphore_mem>>
      tpu.wait_indirect_dma semaphore(%dma_wait3A_78 : memref<!tpu.dma_semaphore, #tpu.memory_space<semaphore_mem>>) src(%dma_wait3A_76 : memref<10000x64xi32, #tpu.memory_space<vmem_shared>>) dst(%dma_wait3A_72 : memref<80x64xi32, #tpu.memory_space<vmem>>)
      %dma_wait3A_79 = arith.constant 0 : i32
      %dma_wait3A_80 = arith.constant 0 : i32
      %dma_wait3A_81 = tpu.memref_slice %arg12[%rem3A_62, %dma_wait3A_79, %dma_wait3A_80] : memref<2x80x64xi32, #tpu.memory_space<vmem>> -> memref<1x80x64xi32, #tpu.memory_space<vmem>>
      %dma_wait3A_82 = tpu.memref_squeeze %dma_wait3A_81 : memref<1x80x64xi32, #tpu.memory_space<vmem>> -> memref<80x64xi32, #tpu.memory_space<vmem>>
      %dma_wait3A_83 = tpu.memref_slice %arg10[%mul3A_64] : memref<10000xi32, #tpu.memory_space<vmem>> -> memref<80xi32, #tpu.memory_space<vmem>>
      %dma_wait3A_84 = arith.constant 0 : i32
      %dma_wait3A_85 = arith.constant 0 : i32
      %dma_wait3A_86 = tpu.memref_slice %arg8[%dma_wait3A_84, %dma_wait3A_85] : memref<10000x64xi32, #tpu.memory_space<vmem_shared>> -> memref<10000x64xi32, #tpu.memory_space<vmem_shared>>
      %dma_wait3A_87 = tpu.memref_slice %arg15[%rem3A_62] : memref<2x!tpu.dma_semaphore, #tpu.memory_space<semaphore_mem>> -> memref<1x!tpu.dma_semaphore, #tpu.memory_space<semaphore_mem>>
      %dma_wait3A_88 = tpu.memref_squeeze %dma_wait3A_87 : memref<1x!tpu.dma_semaphore, #tpu.memory_space<semaphore_mem>> -> memref<!tpu.dma_semaphore, #tpu.memory_space<semaphore_mem>>
      tpu.wait_indirect_dma semaphore(%dma_wait3A_88 : memref<!tpu.dma_semaphore, #tpu.memory_space<semaphore_mem>>) src(%dma_wait3A_86 : memref<10000x64xi32, #tpu.memory_space<vmem_shared>>) dst(%dma_wait3A_82 : memref<80x64xi32, #tpu.memory_space<vmem>>)
      %ge3A = arith.constant 2 : i32
      %ge3A_89 = arith.cmpi sge, %scan3A_61, %ge3A : i32
      %convert_element_type3A_90 = arith.extui %ge3A_89 : i1 to i32
      %cond3A_91 = arith.constant 0 : i32
      %cond3A_92 = arith.cmpi ne, %convert_element_type3A_90, %cond3A_91 : i32
      scf.if %cond3A_92 {
        %add3A_109 = arith.addi %mul3A_2, %mul3A_64 : i32
        %sub3A = arith.constant 160 : i32
        %sub3A_110 = arith.subi %add3A_109, %sub3A : i32
        %dma_wait3A_111 = arith.constant 0 : i32
        %dma_wait3A_112 = tpu.memref_slice %arg13[%rem3A_62, %dma_wait3A_111] : memref<2x80xf32, #tpu.memory_space<vmem>> -> memref<1x80xf32, #tpu.memory_space<vmem>>
        %dma_wait3A_113 = tpu.memref_squeeze %dma_wait3A_112 : memref<1x80xf32, #tpu.memory_space<vmem>> -> memref<80xf32, #tpu.memory_space<vmem>>
        %dma_wait3A_114 = tpu.memref_slice %arg6[%sub3A_110] : memref<320000xf32, #tpu.memory_space<hbm>> -> memref<80xf32, #tpu.memory_space<hbm>>
        %dma_wait3A_115 = tpu.memref_slice %arg16[%rem3A_62] : memref<2x!tpu.dma_semaphore, #tpu.memory_space<semaphore_mem>> -> memref<1x!tpu.dma_semaphore, #tpu.memory_space<semaphore_mem>>
        %dma_wait3A_116 = tpu.memref_squeeze %dma_wait3A_115 : memref<1x!tpu.dma_semaphore, #tpu.memory_space<semaphore_mem>> -> memref<!tpu.dma_semaphore, #tpu.memory_space<semaphore_mem>>
        %dma_wait3A_117 = tpu.memref_slice %arg6[%sub3A_110] : memref<320000xf32, #tpu.memory_space<hbm>> -> memref<80xf32, #tpu.memory_space<hbm>>
        %dma_wait3A_118 = arith.constant 0 : i32
        %dma_wait3A_119 = tpu.memref_slice %arg13[%rem3A_62, %dma_wait3A_118] : memref<2x80xf32, #tpu.memory_space<vmem>> -> memref<1x80xf32, #tpu.memory_space<vmem>>
        %dma_wait3A_120 = tpu.memref_squeeze %dma_wait3A_119 : memref<1x80xf32, #tpu.memory_space<vmem>> -> memref<80xf32, #tpu.memory_space<vmem>>
        tpu.wait_dma2 semaphore(%dma_wait3A_116 : memref<!tpu.dma_semaphore, #tpu.memory_space<semaphore_mem>>) src(%dma_wait3A_120 : memref<80xf32, #tpu.memory_space<vmem>>) dst(%dma_wait3A_117 : memref<80xf32, #tpu.memory_space<hbm>>)
      } else {
      }
      %scan3A_93 = arith.constant 0 : i32
      %scan3A_94 = arith.constant 5 : i32
      %scan3A_95 = arith.addi %scan3A_93, %scan3A_94 : i32
      %scan3A_96 = arith.constant 1 : i32
      scf.for %scan3A_109 = %scan3A_93 to %scan3A_95 step %scan3A_96  : i32 {
        %mul3A_110 = arith.constant 16 : i32
        %mul3A_111 = arith.muli %scan3A_109, %mul3A_110 : i32
        %broadcast_in_dim3A = arith.constant 0.000000e+00 : f32
        %broadcast_in_dim3A_112 = vector.broadcast %broadcast_in_dim3A : f32 to vector<16xf32>
        %add3A_113 = arith.constant 0 : i32
        %add3A_114 = arith.addi %mul3A_111, %add3A_113 : i32
        %get3A = arith.index_cast %rem3A_62 : i32 to index
        %get3A_115 = arith.index_cast %add3A_114 : i32 to index
        %get3A_116 = arith.constant 0 : index
        %get3A_117 = tpu.vector_load %arg11[%get3A, %get3A_115, %get3A_116] {strides = array<i32>} : memref<2x80x64xi32, #tpu.memory_space<vmem>>, vector<16xi32>,
        %bitcast3A = vector.bitcast %get3A_117 : vector<16xi32> to vector<32xbf16>
        %get3A_118 = arith.index_cast %rem3A_62 : i32 to index
        %get3A_119 = arith.index_cast %add3A_114 : i32 to index
        %get3A_120 = arith.constant 0 : index
        %get3A_121 = tpu.vector_load %arg12[%get3A_118, %get3A_119, %get3A_120] {strides = array<i32>} : memref<2x80x64xi32, #tpu.memory_space<vmem>>, vector<16xi32>,
        %bitcast3A_122 = vector.bitcast %get3A_121 : vector<16xi32> to vector<32xbf16>
        %mul3A_123 = arith.mulf %bitcast3A, %bitcast3A_122 : vector<32xbf16>
        %get3A_124 = arith.index_cast %rem3A_62 : i32 to index
        %get3A_125 = arith.index_cast %add3A_114 : i32 to index
        %get3A_126 = arith.constant 16 : index
        %get3A_127 = tpu.vector_load %arg11[%get3A_124, %get3A_125, %get3A_126] {strides = array<i32>} : memref<2x80x64xi32, #tpu.memory_space<vmem>>, vector<16xi32>,
        %bitcast3A_128 = vector.bitcast %get3A_127 : vector<16xi32> to vector<32xbf16>
        %get3A_129 = arith.index_cast %rem3A_62 : i32 to index
        %get3A_130 = arith.index_cast %add3A_114 : i32 to index
        %get3A_131 = arith.constant 16 : index
        %get3A_132 = tpu.vector_load %arg12[%get3A_129, %get3A_130, %get3A_131] {strides = array<i32>} : memref<2x80x64xi32, #tpu.memory_space<vmem>>, vector<16xi32>,
        %bitcast3A_133 = vector.bitcast %get3A_132 : vector<16xi32> to vector<32xbf16>
        %mul3A_134 = arith.mulf %bitcast3A_128, %bitcast3A_133 : vector<32xbf16>
        %add3A_135 = arith.addf %mul3A_123, %mul3A_134 : vector<32xbf16>
        %get3A_136 = arith.index_cast %rem3A_62 : i32 to index
        %get3A_137 = arith.index_cast %add3A_114 : i32 to index
        %get3A_138 = arith.constant 32 : index
        %get3A_139 = tpu.vector_load %arg11[%get3A_136, %get3A_137, %get3A_138] {strides = array<i32>} : memref<2x80x64xi32, #tpu.memory_space<vmem>>, vector<16xi32>,
        %bitcast3A_140 = vector.bitcast %get3A_139 : vector<16xi32> to vector<32xbf16>
        %get3A_141 = arith.index_cast %rem3A_62 : i32 to index
        %get3A_142 = arith.index_cast %add3A_114 : i32 to index
        %get3A_143 = arith.constant 32 : index
        %get3A_144 = tpu.vector_load %arg12[%get3A_141, %get3A_142, %get3A_143] {strides = array<i32>} : memref<2x80x64xi32, #tpu.memory_space<vmem>>, vector<16xi32>,
        %bitcast3A_145 = vector.bitcast %get3A_144 : vector<16xi32> to vector<32xbf16>
        %mul3A_146 = arith.mulf %bitcast3A_140, %bitcast3A_145 : vector<32xbf16>
        %add3A_147 = arith.addf %add3A_135, %mul3A_146 : vector<32xbf16>
        %get3A_148 = arith.index_cast %rem3A_62 : i32 to index
        %get3A_149 = arith.index_cast %add3A_114 : i32 to index
        %get3A_150 = arith.constant 48 : index
        %get3A_151 = tpu.vector_load %arg11[%get3A_148, %get3A_149, %get3A_150] {strides = array<i32>} : memref<2x80x64xi32, #tpu.memory_space<vmem>>, vector<16xi32>,
        %bitcast3A_152 = vector.bitcast %get3A_151 : vector<16xi32> to vector<32xbf16>
        %get3A_153 = arith.index_cast %rem3A_62 : i32 to index
        %get3A_154 = arith.index_cast %add3A_114 : i32 to index
        %get3A_155 = arith.constant 48 : index
        %get3A_156 = tpu.vector_load %arg12[%get3A_153, %get3A_154, %get3A_155] {strides = array<i32>} : memref<2x80x64xi32, #tpu.memory_space<vmem>>, vector<16xi32>,
        %bitcast3A_157 = vector.bitcast %get3A_156 : vector<16xi32> to vector<32xbf16>
        %mul3A_158 = arith.mulf %bitcast3A_152, %bitcast3A_157 : vector<32xbf16>
        %add3A_159 = arith.addf %add3A_147, %mul3A_158 : vector<32xbf16>
        %unpack3A = tpu.unpack_subelements %add3A_159, 0 {pack_format = #tpu.pack_format<interleaved>} : vector<32xbf16> -> vector<16xf32>
        %unpack3A_160 = tpu.unpack_subelements %add3A_159, 1 {pack_format = #tpu.pack_format<interleaved>} : vector<32xbf16> -> vector<16xf32>
        %add3A_161 = arith.addf %unpack3A, %unpack3A_160 : vector<16xf32>
        %reduce_sum3A = arith.constant true
        %reduce_sum3A_162 = vector.broadcast %reduce_sum3A : i1 to vector<16xi1>
        %reduce_sum3A_163 = tpu.scan <sum>, %add3A_161 masked %reduce_sum3A_162 : vector<16xf32>, vector<16xi1> -> vector<16xf32>
        %reduce_sum3A_164 = vector.extract %reduce_sum3A_163[15] : f32 from vector<16xf32>
        %eq3A = arith.constant 0 : i32
        %eq3A_165 = vector.broadcast %eq3A : i32 to vector<16xi32>
        %eq3A_166 = arith.cmpi eq, %iota3A, %eq3A_165 : vector<16xi32>
        %broadcast_in_dim3A_167 = vector.broadcast %reduce_sum3A_164 : f32 to vector<16xf32>
        %select_n3A = arith.select %eq3A_166, %broadcast_in_dim3A_167, %broadcast_in_dim3A_112 : vector<16xi1>, vector<16xf32>
        %add3A_168 = arith.constant 1 : i32
        %add3A_169 = arith.addi %mul3A_111, %add3A_168 : i32
        %get3A_170 = arith.index_cast %rem3A_62 : i32 to index
        %get3A_171 = arith.index_cast %add3A_169 : i32 to index
        %get3A_172 = arith.constant 0 : index
        %get3A_173 = tpu.vector_load %arg11[%get3A_170, %get3A_171, %get3A_172] {strides = array<i32>} : memref<2x80x64xi32, #tpu.memory_space<vmem>>, vector<16xi32>,
        %bitcast3A_174 = vector.bitcast %get3A_173 : vector<16xi32> to vector<32xbf16>
        %get3A_175 = arith.index_cast %rem3A_62 : i32 to index
        %get3A_176 = arith.index_cast %add3A_169 : i32 to index
        %get3A_177 = arith.constant 0 : index
        %get3A_178 = tpu.vector_load %arg12[%get3A_175, %get3A_176, %get3A_177] {strides = array<i32>} : memref<2x80x64xi32, #tpu.memory_space<vmem>>, vector<16xi32>,
        %bitcast3A_179 = vector.bitcast %get3A_178 : vector<16xi32> to vector<32xbf16>
        %mul3A_180 = arith.mulf %bitcast3A_174, %bitcast3A_179 : vector<32xbf16>
        %get3A_181 = arith.index_cast %rem3A_62 : i32 to index
        %get3A_182 = arith.index_cast %add3A_169 : i32 to index
        %get3A_183 = arith.constant 16 : index
        %get3A_184 = tpu.vector_load %arg11[%get3A_181, %get3A_182, %get3A_183] {strides = array<i32>} : memref<2x80x64xi32, #tpu.memory_space<vmem>>, vector<16xi32>,
        %bitcast3A_185 = vector.bitcast %get3A_184 : vector<16xi32> to vector<32xbf16>
        %get3A_186 = arith.index_cast %rem3A_62 : i32 to index
        %get3A_187 = arith.index_cast %add3A_169 : i32 to index
        %get3A_188 = arith.constant 16 : index
        %get3A_189 = tpu.vector_load %arg12[%get3A_186, %get3A_187, %get3A_188] {strides = array<i32>} : memref<2x80x64xi32, #tpu.memory_space<vmem>>, vector<16xi32>,
        %bitcast3A_190 = vector.bitcast %get3A_189 : vector<16xi32> to vector<32xbf16>
        %mul3A_191 = arith.mulf %bitcast3A_185, %bitcast3A_190 : vector<32xbf16>
        %add3A_192 = arith.addf %mul3A_180, %mul3A_191 : vector<32xbf16>
        %get3A_193 = arith.index_cast %rem3A_62 : i32 to index
        %get3A_194 = arith.index_cast %add3A_169 : i32 to index
        %get3A_195 = arith.constant 32 : index
        %get3A_196 = tpu.vector_load %arg11[%get3A_193, %get3A_194, %get3A_195] {strides = array<i32>} : memref<2x80x64xi32, #tpu.memory_space<vmem>>, vector<16xi32>,
        %bitcast3A_197 = vector.bitcast %get3A_196 : vector<16xi32> to vector<32xbf16>
        %get3A_198 = arith.index_cast %rem3A_62 : i32 to index
        %get3A_199 = arith.index_cast %add3A_169 : i32 to index
        %get3A_200 = arith.constant 32 : index
        %get3A_201 = tpu.vector_load %arg12[%get3A_198, %get3A_199, %get3A_200] {strides = array<i32>} : memref<2x80x64xi32, #tpu.memory_space<vmem>>, vector<16xi32>,
        %bitcast3A_202 = vector.bitcast %get3A_201 : vector<16xi32> to vector<32xbf16>
        %mul3A_203 = arith.mulf %bitcast3A_197, %bitcast3A_202 : vector<32xbf16>
        %add3A_204 = arith.addf %add3A_192, %mul3A_203 : vector<32xbf16>
        %get3A_205 = arith.index_cast %rem3A_62 : i32 to index
        %get3A_206 = arith.index_cast %add3A_169 : i32 to index
        %get3A_207 = arith.constant 48 : index
        %get3A_208 = tpu.vector_load %arg11[%get3A_205, %get3A_206, %get3A_207] {strides = array<i32>} : memref<2x80x64xi32, #tpu.memory_space<vmem>>, vector<16xi32>,
        %bitcast3A_209 = vector.bitcast %get3A_208 : vector<16xi32> to vector<32xbf16>
        %get3A_210 = arith.index_cast %rem3A_62 : i32 to index
        %get3A_211 = arith.index_cast %add3A_169 : i32 to index
        %get3A_212 = arith.constant 48 : index
        %get3A_213 = tpu.vector_load %arg12[%get3A_210, %get3A_211, %get3A_212] {strides = array<i32>} : memref<2x80x64xi32, #tpu.memory_space<vmem>>, vector<16xi32>,
        %bitcast3A_214 = vector.bitcast %get3A_213 : vector<16xi32> to vector<32xbf16>
        %mul3A_215 = arith.mulf %bitcast3A_209, %bitcast3A_214 : vector<32xbf16>
        %add3A_216 = arith.addf %add3A_204, %mul3A_215 : vector<32xbf16>
        %unpack3A_217 = tpu.unpack_subelements %add3A_216, 0 {pack_format = #tpu.pack_format<interleaved>} : vector<32xbf16> -> vector<16xf32>
        %unpack3A_218 = tpu.unpack_subelements %add3A_216, 1 {pack_format = #tpu.pack_format<interleaved>} : vector<32xbf16> -> vector<16xf32>
        %add3A_219 = arith.addf %unpack3A_217, %unpack3A_218 : vector<16xf32>
        %reduce_sum3A_220 = arith.constant true
        %reduce_sum3A_221 = vector.broadcast %reduce_sum3A_220 : i1 to vector<16xi1>
        %reduce_sum3A_222 = tpu.scan <sum>, %add3A_219 masked %reduce_sum3A_221 : vector<16xf32>, vector<16xi1> -> vector<16xf32>
        %reduce_sum3A_223 = vector.extract %reduce_sum3A_222[15] : f32 from vector<16xf32>
        %eq3A_224 = arith.constant 1 : i32
        %eq3A_225 = vector.broadcast %eq3A_224 : i32 to vector<16xi32>
        %eq3A_226 = arith.cmpi eq, %iota3A, %eq3A_225 : vector<16xi32>
        %broadcast_in_dim3A_227 = vector.broadcast %reduce_sum3A_223 : f32 to vector<16xf32>
        %select_n3A_228 = arith.select %eq3A_226, %broadcast_in_dim3A_227, %select_n3A : vector<16xi1>, vector<16xf32>
        %add3A_229 = arith.constant 2 : i32
        %add3A_230 = arith.addi %mul3A_111, %add3A_229 : i32
        %get3A_231 = arith.index_cast %rem3A_62 : i32 to index
        %get3A_232 = arith.index_cast %add3A_230 : i32 to index
        %get3A_233 = arith.constant 0 : index
        %get3A_234 = tpu.vector_load %arg11[%get3A_231, %get3A_232, %get3A_233] {strides = array<i32>} : memref<2x80x64xi32, #tpu.memory_space<vmem>>, vector<16xi32>,
        %bitcast3A_235 = vector.bitcast %get3A_234 : vector<16xi32> to vector<32xbf16>
        %get3A_236 = arith.index_cast %rem3A_62 : i32 to index
        %get3A_237 = arith.index_cast %add3A_230 : i32 to index
        %get3A_238 = arith.constant 0 : index
        %get3A_239 = tpu.vector_load %arg12[%get3A_236, %get3A_237, %get3A_238] {strides = array<i32>} : memref<2x80x64xi32, #tpu.memory_space<vmem>>, vector<16xi32>,
        %bitcast3A_240 = vector.bitcast %get3A_239 : vector<16xi32> to vector<32xbf16>
        %mul3A_241 = arith.mulf %bitcast3A_235, %bitcast3A_240 : vector<32xbf16>
        %get3A_242 = arith.index_cast %rem3A_62 : i32 to index
        %get3A_243 = arith.index_cast %add3A_230 : i32 to index
        %get3A_244 = arith.constant 16 : index
        %get3A_245 = tpu.vector_load %arg11[%get3A_242, %get3A_243, %get3A_244] {strides = array<i32>} : memref<2x80x64xi32, #tpu.memory_space<vmem>>, vector<16xi32>,
        %bitcast3A_246 = vector.bitcast %get3A_245 : vector<16xi32> to vector<32xbf16>
        %get3A_247 = arith.index_cast %rem3A_62 : i32 to index
        %get3A_248 = arith.index_cast %add3A_230 : i32 to index
        %get3A_249 = arith.constant 16 : index
        %get3A_250 = tpu.vector_load %arg12[%get3A_247, %get3A_248, %get3A_249] {strides = array<i32>} : memref<2x80x64xi32, #tpu.memory_space<vmem>>, vector<16xi32>,
        %bitcast3A_251 = vector.bitcast %get3A_250 : vector<16xi32> to vector<32xbf16>
        %mul3A_252 = arith.mulf %bitcast3A_246, %bitcast3A_251 : vector<32xbf16>
        %add3A_253 = arith.addf %mul3A_241, %mul3A_252 : vector<32xbf16>
        %get3A_254 = arith.index_cast %rem3A_62 : i32 to index
        %get3A_255 = arith.index_cast %add3A_230 : i32 to index
        %get3A_256 = arith.constant 32 : index
        %get3A_257 = tpu.vector_load %arg11[%get3A_254, %get3A_255, %get3A_256] {strides = array<i32>} : memref<2x80x64xi32, #tpu.memory_space<vmem>>, vector<16xi32>,
        %bitcast3A_258 = vector.bitcast %get3A_257 : vector<16xi32> to vector<32xbf16>
        %get3A_259 = arith.index_cast %rem3A_62 : i32 to index
        %get3A_260 = arith.index_cast %add3A_230 : i32 to index
        %get3A_261 = arith.constant 32 : index
        %get3A_262 = tpu.vector_load %arg12[%get3A_259, %get3A_260, %get3A_261] {strides = array<i32>} : memref<2x80x64xi32, #tpu.memory_space<vmem>>, vector<16xi32>,
        %bitcast3A_263 = vector.bitcast %get3A_262 : vector<16xi32> to vector<32xbf16>
        %mul3A_264 = arith.mulf %bitcast3A_258, %bitcast3A_263 : vector<32xbf16>
        %add3A_265 = arith.addf %add3A_253, %mul3A_264 : vector<32xbf16>
        %get3A_266 = arith.index_cast %rem3A_62 : i32 to index
        %get3A_267 = arith.index_cast %add3A_230 : i32 to index
        %get3A_268 = arith.constant 48 : index
        %get3A_269 = tpu.vector_load %arg11[%get3A_266, %get3A_267, %get3A_268] {strides = array<i32>} : memref<2x80x64xi32, #tpu.memory_space<vmem>>, vector<16xi32>,
        %bitcast3A_270 = vector.bitcast %get3A_269 : vector<16xi32> to vector<32xbf16>
        %get3A_271 = arith.index_cast %rem3A_62 : i32 to index
        %get3A_272 = arith.index_cast %add3A_230 : i32 to index
        %get3A_273 = arith.constant 48 : index
        %get3A_274 = tpu.vector_load %arg12[%get3A_271, %get3A_272, %get3A_273] {strides = array<i32>} : memref<2x80x64xi32, #tpu.memory_space<vmem>>, vector<16xi32>,
        %bitcast3A_275 = vector.bitcast %get3A_274 : vector<16xi32> to vector<32xbf16>
        %mul3A_276 = arith.mulf %bitcast3A_270, %bitcast3A_275 : vector<32xbf16>
        %add3A_277 = arith.addf %add3A_265, %mul3A_276 : vector<32xbf16>
        %unpack3A_278 = tpu.unpack_subelements %add3A_277, 0 {pack_format = #tpu.pack_format<interleaved>} : vector<32xbf16> -> vector<16xf32>
        %unpack3A_279 = tpu.unpack_subelements %add3A_277, 1 {pack_format = #tpu.pack_format<interleaved>} : vector<32xbf16> -> vector<16xf32>
        %add3A_280 = arith.addf %unpack3A_278, %unpack3A_279 : vector<16xf32>
        %reduce_sum3A_281 = arith.constant true
        %reduce_sum3A_282 = vector.broadcast %reduce_sum3A_281 : i1 to vector<16xi1>
        %reduce_sum3A_283 = tpu.scan <sum>, %add3A_280 masked %reduce_sum3A_282 : vector<16xf32>, vector<16xi1> -> vector<16xf32>
        %reduce_sum3A_284 = vector.extract %reduce_sum3A_283[15] : f32 from vector<16xf32>
        %eq3A_285 = arith.constant 2 : i32
        %eq3A_286 = vector.broadcast %eq3A_285 : i32 to vector<16xi32>
        %eq3A_287 = arith.cmpi eq, %iota3A, %eq3A_286 : vector<16xi32>
        %broadcast_in_dim3A_288 = vector.broadcast %reduce_sum3A_284 : f32 to vector<16xf32>
        %select_n3A_289 = arith.select %eq3A_287, %broadcast_in_dim3A_288, %select_n3A_228 : vector<16xi1>, vector<16xf32>
        %add3A_290 = arith.constant 3 : i32
        %add3A_291 = arith.addi %mul3A_111, %add3A_290 : i32
        %get3A_292 = arith.index_cast %rem3A_62 : i32 to index
        %get3A_293 = arith.index_cast %add3A_291 : i32 to index
        %get3A_294 = arith.constant 0 : index
        %get3A_295 = tpu.vector_load %arg11[%get3A_292, %get3A_293, %get3A_294] {strides = array<i32>} : memref<2x80x64xi32, #tpu.memory_space<vmem>>, vector<16xi32>,
        %bitcast3A_296 = vector.bitcast %get3A_295 : vector<16xi32> to vector<32xbf16>
        %get3A_297 = arith.index_cast %rem3A_62 : i32 to index
        %get3A_298 = arith.index_cast %add3A_291 : i32 to index
        %get3A_299 = arith.constant 0 : index
        %get3A_300 = tpu.vector_load %arg12[%get3A_297, %get3A_298, %get3A_299] {strides = array<i32>} : memref<2x80x64xi32, #tpu.memory_space<vmem>>, vector<16xi32>,
        %bitcast3A_301 = vector.bitcast %get3A_300 : vector<16xi32> to vector<32xbf16>
        %mul3A_302 = arith.mulf %bitcast3A_296, %bitcast3A_301 : vector<32xbf16>
        %get3A_303 = arith.index_cast %rem3A_62 : i32 to index
        %get3A_304 = arith.index_cast %add3A_291 : i32 to index
        %get3A_305 = arith.constant 16 : index
        %get3A_306 = tpu.vector_load %arg11[%get3A_303, %get3A_304, %get3A_305] {strides = array<i32>} : memref<2x80x64xi32, #tpu.memory_space<vmem>>, vector<16xi32>,
        %bitcast3A_307 = vector.bitcast %get3A_306 : vector<16xi32> to vector<32xbf16>
        %get3A_308 = arith.index_cast %rem3A_62 : i32 to index
        %get3A_309 = arith.index_cast %add3A_291 : i32 to index
        %get3A_310 = arith.constant 16 : index
        %get3A_311 = tpu.vector_load %arg12[%get3A_308, %get3A_309, %get3A_310] {strides = array<i32>} : memref<2x80x64xi32, #tpu.memory_space<vmem>>, vector<16xi32>,
        %bitcast3A_312 = vector.bitcast %get3A_311 : vector<16xi32> to vector<32xbf16>
        %mul3A_313 = arith.mulf %bitcast3A_307, %bitcast3A_312 : vector<32xbf16>
        %add3A_314 = arith.addf %mul3A_302, %mul3A_313 : vector<32xbf16>
        %get3A_315 = arith.index_cast %rem3A_62 : i32 to index
        %get3A_316 = arith.index_cast %add3A_291 : i32 to index
        %get3A_317 = arith.constant 32 : index
        %get3A_318 = tpu.vector_load %arg11[%get3A_315, %get3A_316, %get3A_317] {strides = array<i32>} : memref<2x80x64xi32, #tpu.memory_space<vmem>>, vector<16xi32>,
        %bitcast3A_319 = vector.bitcast %get3A_318 : vector<16xi32> to vector<32xbf16>
        %get3A_320 = arith.index_cast %rem3A_62 : i32 to index
        %get3A_321 = arith.index_cast %add3A_291 : i32 to index
        %get3A_322 = arith.constant 32 : index
        %get3A_323 = tpu.vector_load %arg12[%get3A_320, %get3A_321, %get3A_322] {strides = array<i32>} : memref<2x80x64xi32, #tpu.memory_space<vmem>>, vector<16xi32>,
        %bitcast3A_324 = vector.bitcast %get3A_323 : vector<16xi32> to vector<32xbf16>
        %mul3A_325 = arith.mulf %bitcast3A_319, %bitcast3A_324 : vector<32xbf16>
        %add3A_326 = arith.addf %add3A_314, %mul3A_325 : vector<32xbf16>
        %get3A_327 = arith.index_cast %rem3A_62 : i32 to index
        %get3A_328 = arith.index_cast %add3A_291 : i32 to index
        %get3A_329 = arith.constant 48 : index
        %get3A_330 = tpu.vector_load %arg11[%get3A_327, %get3A_328, %get3A_329] {strides = array<i32>} : memref<2x80x64xi32, #tpu.memory_space<vmem>>, vector<16xi32>,
        %bitcast3A_331 = vector.bitcast %get3A_330 : vector<16xi32> to vector<32xbf16>
        %get3A_332 = arith.index_cast %rem3A_62 : i32 to index
        %get3A_333 = arith.index_cast %add3A_291 : i32 to index
        %get3A_334 = arith.constant 48 : index
        %get3A_335 = tpu.vector_load %arg12[%get3A_332, %get3A_333, %get3A_334] {strides = array<i32>} : memref<2x80x64xi32, #tpu.memory_space<vmem>>, vector<16xi32>,
        %bitcast3A_336 = vector.bitcast %get3A_335 : vector<16xi32> to vector<32xbf16>
        %mul3A_337 = arith.mulf %bitcast3A_331, %bitcast3A_336 : vector<32xbf16>
        %add3A_338 = arith.addf %add3A_326, %mul3A_337 : vector<32xbf16>
        %unpack3A_339 = tpu.unpack_subelements %add3A_338, 0 {pack_format = #tpu.pack_format<interleaved>} : vector<32xbf16> -> vector<16xf32>
        %unpack3A_340 = tpu.unpack_subelements %add3A_338, 1 {pack_format = #tpu.pack_format<interleaved>} : vector<32xbf16> -> vector<16xf32>
        %add3A_341 = arith.addf %unpack3A_339, %unpack3A_340 : vector<16xf32>
        %reduce_sum3A_342 = arith.constant true
        %reduce_sum3A_343 = vector.broadcast %reduce_sum3A_342 : i1 to vector<16xi1>
        %reduce_sum3A_344 = tpu.scan <sum>, %add3A_341 masked %reduce_sum3A_343 : vector<16xf32>, vector<16xi1> -> vector<16xf32>
        %reduce_sum3A_345 = vector.extract %reduce_sum3A_344[15] : f32 from vector<16xf32>
        %eq3A_346 = arith.constant 3 : i32
        %eq3A_347 = vector.broadcast %eq3A_346 : i32 to vector<16xi32>
        %eq3A_348 = arith.cmpi eq, %iota3A, %eq3A_347 : vector<16xi32>
        %broadcast_in_dim3A_349 = vector.broadcast %reduce_sum3A_345 : f32 to vector<16xf32>
        %select_n3A_350 = arith.select %eq3A_348, %broadcast_in_dim3A_349, %select_n3A_289 : vector<16xi1>, vector<16xf32>
        %add3A_351 = arith.constant 4 : i32
        %add3A_352 = arith.addi %mul3A_111, %add3A_351 : i32
        %get3A_353 = arith.index_cast %rem3A_62 : i32 to index
        %get3A_354 = arith.index_cast %add3A_352 : i32 to index
        %get3A_355 = arith.constant 0 : index
        %get3A_356 = tpu.vector_load %arg11[%get3A_353, %get3A_354, %get3A_355] {strides = array<i32>} : memref<2x80x64xi32, #tpu.memory_space<vmem>>, vector<16xi32>,
        %bitcast3A_357 = vector.bitcast %get3A_356 : vector<16xi32> to vector<32xbf16>
        %get3A_358 = arith.index_cast %rem3A_62 : i32 to index
        %get3A_359 = arith.index_cast %add3A_352 : i32 to index
        %get3A_360 = arith.constant 0 : index
        %get3A_361 = tpu.vector_load %arg12[%get3A_358, %get3A_359, %get3A_360] {strides = array<i32>} : memref<2x80x64xi32, #tpu.memory_space<vmem>>, vector<16xi32>,
        %bitcast3A_362 = vector.bitcast %get3A_361 : vector<16xi32> to vector<32xbf16>
        %mul3A_363 = arith.mulf %bitcast3A_357, %bitcast3A_362 : vector<32xbf16>
        %get3A_364 = arith.index_cast %rem3A_62 : i32 to index
        %get3A_365 = arith.index_cast %add3A_352 : i32 to index
        %get3A_366 = arith.constant 16 : index
        %get3A_367 = tpu.vector_load %arg11[%get3A_364, %get3A_365, %get3A_366] {strides = array<i32>} : memref<2x80x64xi32, #tpu.memory_space<vmem>>, vector<16xi32>,
        %bitcast3A_368 = vector.bitcast %get3A_367 : vector<16xi32> to vector<32xbf16>
        %get3A_369 = arith.index_cast %rem3A_62 : i32 to index
        %get3A_370 = arith.index_cast %add3A_352 : i32 to index
        %get3A_371 = arith.constant 16 : index
        %get3A_372 = tpu.vector_load %arg12[%get3A_369, %get3A_370, %get3A_371] {strides = array<i32>} : memref<2x80x64xi32, #tpu.memory_space<vmem>>, vector<16xi32>,
        %bitcast3A_373 = vector.bitcast %get3A_372 : vector<16xi32> to vector<32xbf16>
        %mul3A_374 = arith.mulf %bitcast3A_368, %bitcast3A_373 : vector<32xbf16>
        %add3A_375 = arith.addf %mul3A_363, %mul3A_374 : vector<32xbf16>
        %get3A_376 = arith.index_cast %rem3A_62 : i32 to index
        %get3A_377 = arith.index_cast %add3A_352 : i32 to index
        %get3A_378 = arith.constant 32 : index
        %get3A_379 = tpu.vector_load %arg11[%get3A_376, %get3A_377, %get3A_378] {strides = array<i32>} : memref<2x80x64xi32, #tpu.memory_space<vmem>>, vector<16xi32>,
        %bitcast3A_380 = vector.bitcast %get3A_379 : vector<16xi32> to vector<32xbf16>
        %get3A_381 = arith.index_cast %rem3A_62 : i32 to index
        %get3A_382 = arith.index_cast %add3A_352 : i32 to index
        %get3A_383 = arith.constant 32 : index
        %get3A_384 = tpu.vector_load %arg12[%get3A_381, %get3A_382, %get3A_383] {strides = array<i32>} : memref<2x80x64xi32, #tpu.memory_space<vmem>>, vector<16xi32>,
        %bitcast3A_385 = vector.bitcast %get3A_384 : vector<16xi32> to vector<32xbf16>
        %mul3A_386 = arith.mulf %bitcast3A_380, %bitcast3A_385 : vector<32xbf16>
        %add3A_387 = arith.addf %add3A_375, %mul3A_386 : vector<32xbf16>
        %get3A_388 = arith.index_cast %rem3A_62 : i32 to index
        %get3A_389 = arith.index_cast %add3A_352 : i32 to index
        %get3A_390 = arith.constant 48 : index
        %get3A_391 = tpu.vector_load %arg11[%get3A_388, %get3A_389, %get3A_390] {strides = array<i32>} : memref<2x80x64xi32, #tpu.memory_space<vmem>>, vector<16xi32>,
        %bitcast3A_392 = vector.bitcast %get3A_391 : vector<16xi32> to vector<32xbf16>
        %get3A_393 = arith.index_cast %rem3A_62 : i32 to index
        %get3A_394 = arith.index_cast %add3A_352 : i32 to index
        %get3A_395 = arith.constant 48 : index
        %get3A_396 = tpu.vector_load %arg12[%get3A_393, %get3A_394, %get3A_395] {strides = array<i32>} : memref<2x80x64xi32, #tpu.memory_space<vmem>>, vector<16xi32>,
        %bitcast3A_397 = vector.bitcast %get3A_396 : vector<16xi32> to vector<32xbf16>
        %mul3A_398 = arith.mulf %bitcast3A_392, %bitcast3A_397 : vector<32xbf16>
        %add3A_399 = arith.addf %add3A_387, %mul3A_398 : vector<32xbf16>
        %unpack3A_400 = tpu.unpack_subelements %add3A_399, 0 {pack_format = #tpu.pack_format<interleaved>} : vector<32xbf16> -> vector<16xf32>
        %unpack3A_401 = tpu.unpack_subelements %add3A_399, 1 {pack_format = #tpu.pack_format<interleaved>} : vector<32xbf16> -> vector<16xf32>
        %add3A_402 = arith.addf %unpack3A_400, %unpack3A_401 : vector<16xf32>
        %reduce_sum3A_403 = arith.constant true
        %reduce_sum3A_404 = vector.broadcast %reduce_sum3A_403 : i1 to vector<16xi1>
        %reduce_sum3A_405 = tpu.scan <sum>, %add3A_402 masked %reduce_sum3A_404 : vector<16xf32>, vector<16xi1> -> vector<16xf32>
        %reduce_sum3A_406 = vector.extract %reduce_sum3A_405[15] : f32 from vector<16xf32>
        %eq3A_407 = arith.constant 4 : i32
        %eq3A_408 = vector.broadcast %eq3A_407 : i32 to vector<16xi32>
        %eq3A_409 = arith.cmpi eq, %iota3A, %eq3A_408 : vector<16xi32>
        %broadcast_in_dim3A_410 = vector.broadcast %reduce_sum3A_406 : f32 to vector<16xf32>
        %select_n3A_411 = arith.select %eq3A_409, %broadcast_in_dim3A_410, %select_n3A_350 : vector<16xi1>, vector<16xf32>
        %add3A_412 = arith.constant 5 : i32
        %add3A_413 = arith.addi %mul3A_111, %add3A_412 : i32
        %get3A_414 = arith.index_cast %rem3A_62 : i32 to index
        %get3A_415 = arith.index_cast %add3A_413 : i32 to index
        %get3A_416 = arith.constant 0 : index
        %get3A_417 = tpu.vector_load %arg11[%get3A_414, %get3A_415, %get3A_416] {strides = array<i32>} : memref<2x80x64xi32, #tpu.memory_space<vmem>>, vector<16xi32>,
        %bitcast3A_418 = vector.bitcast %get3A_417 : vector<16xi32> to vector<32xbf16>
        %get3A_419 = arith.index_cast %rem3A_62 : i32 to index
        %get3A_420 = arith.index_cast %add3A_413 : i32 to index
        %get3A_421 = arith.constant 0 : index
        %get3A_422 = tpu.vector_load %arg12[%get3A_419, %get3A_420, %get3A_421] {strides = array<i32>} : memref<2x80x64xi32, #tpu.memory_space<vmem>>, vector<16xi32>,
        %bitcast3A_423 = vector.bitcast %get3A_422 : vector<16xi32> to vector<32xbf16>
        %mul3A_424 = arith.mulf %bitcast3A_418, %bitcast3A_423 : vector<32xbf16>
        %get3A_425 = arith.index_cast %rem3A_62 : i32 to index
        %get3A_426 = arith.index_cast %add3A_413 : i32 to index
        %get3A_427 = arith.constant 16 : index
        %get3A_428 = tpu.vector_load %arg11[%get3A_425, %get3A_426, %get3A_427] {strides = array<i32>} : memref<2x80x64xi32, #tpu.memory_space<vmem>>, vector<16xi32>,
        %bitcast3A_429 = vector.bitcast %get3A_428 : vector<16xi32> to vector<32xbf16>
        %get3A_430 = arith.index_cast %rem3A_62 : i32 to index
        %get3A_431 = arith.index_cast %add3A_413 : i32 to index
        %get3A_432 = arith.constant 16 : index
        %get3A_433 = tpu.vector_load %arg12[%get3A_430, %get3A_431, %get3A_432] {strides = array<i32>} : memref<2x80x64xi32, #tpu.memory_space<vmem>>, vector<16xi32>,
        %bitcast3A_434 = vector.bitcast %get3A_433 : vector<16xi32> to vector<32xbf16>
        %mul3A_435 = arith.mulf %bitcast3A_429, %bitcast3A_434 : vector<32xbf16>
        %add3A_436 = arith.addf %mul3A_424, %mul3A_435 : vector<32xbf16>
        %get3A_437 = arith.index_cast %rem3A_62 : i32 to index
        %get3A_438 = arith.index_cast %add3A_413 : i32 to index
        %get3A_439 = arith.constant 32 : index
        %get3A_440 = tpu.vector_load %arg11[%get3A_437, %get3A_438, %get3A_439] {strides = array<i32>} : memref<2x80x64xi32, #tpu.memory_space<vmem>>, vector<16xi32>,
        %bitcast3A_441 = vector.bitcast %get3A_440 : vector<16xi32> to vector<32xbf16>
        %get3A_442 = arith.index_cast %rem3A_62 : i32 to index
        %get3A_443 = arith.index_cast %add3A_413 : i32 to index
        %get3A_444 = arith.constant 32 : index
        %get3A_445 = tpu.vector_load %arg12[%get3A_442, %get3A_443, %get3A_444] {strides = array<i32>} : memref<2x80x64xi32, #tpu.memory_space<vmem>>, vector<16xi32>,
        %bitcast3A_446 = vector.bitcast %get3A_445 : vector<16xi32> to vector<32xbf16>
        %mul3A_447 = arith.mulf %bitcast3A_441, %bitcast3A_446 : vector<32xbf16>
        %add3A_448 = arith.addf %add3A_436, %mul3A_447 : vector<32xbf16>
        %get3A_449 = arith.index_cast %rem3A_62 : i32 to index
        %get3A_450 = arith.index_cast %add3A_413 : i32 to index
        %get3A_451 = arith.constant 48 : index
        %get3A_452 = tpu.vector_load %arg11[%get3A_449, %get3A_450, %get3A_451] {strides = array<i32>} : memref<2x80x64xi32, #tpu.memory_space<vmem>>, vector<16xi32>,
        %bitcast3A_453 = vector.bitcast %get3A_452 : vector<16xi32> to vector<32xbf16>
        %get3A_454 = arith.index_cast %rem3A_62 : i32 to index
        %get3A_455 = arith.index_cast %add3A_413 : i32 to index
        %get3A_456 = arith.constant 48 : index
        %get3A_457 = tpu.vector_load %arg12[%get3A_454, %get3A_455, %get3A_456] {strides = array<i32>} : memref<2x80x64xi32, #tpu.memory_space<vmem>>, vector<16xi32>,
        %bitcast3A_458 = vector.bitcast %get3A_457 : vector<16xi32> to vector<32xbf16>
        %mul3A_459 = arith.mulf %bitcast3A_453, %bitcast3A_458 : vector<32xbf16>
        %add3A_460 = arith.addf %add3A_448, %mul3A_459 : vector<32xbf16>
        %unpack3A_461 = tpu.unpack_subelements %add3A_460, 0 {pack_format = #tpu.pack_format<interleaved>} : vector<32xbf16> -> vector<16xf32>
        %unpack3A_462 = tpu.unpack_subelements %add3A_460, 1 {pack_format = #tpu.pack_format<interleaved>} : vector<32xbf16> -> vector<16xf32>
        %add3A_463 = arith.addf %unpack3A_461, %unpack3A_462 : vector<16xf32>
        %reduce_sum3A_464 = arith.constant true
        %reduce_sum3A_465 = vector.broadcast %reduce_sum3A_464 : i1 to vector<16xi1>
        %reduce_sum3A_466 = tpu.scan <sum>, %add3A_463 masked %reduce_sum3A_465 : vector<16xf32>, vector<16xi1> -> vector<16xf32>
        %reduce_sum3A_467 = vector.extract %reduce_sum3A_466[15] : f32 from vector<16xf32>
        %eq3A_468 = arith.constant 5 : i32
        %eq3A_469 = vector.broadcast %eq3A_468 : i32 to vector<16xi32>
        %eq3A_470 = arith.cmpi eq, %iota3A, %eq3A_469 : vector<16xi32>
        %broadcast_in_dim3A_471 = vector.broadcast %reduce_sum3A_467 : f32 to vector<16xf32>
        %select_n3A_472 = arith.select %eq3A_470, %broadcast_in_dim3A_471, %select_n3A_411 : vector<16xi1>, vector<16xf32>
        %add3A_473 = arith.constant 6 : i32
        %add3A_474 = arith.addi %mul3A_111, %add3A_473 : i32
        %get3A_475 = arith.index_cast %rem3A_62 : i32 to index
        %get3A_476 = arith.index_cast %add3A_474 : i32 to index
        %get3A_477 = arith.constant 0 : index
        %get3A_478 = tpu.vector_load %arg11[%get3A_475, %get3A_476, %get3A_477] {strides = array<i32>} : memref<2x80x64xi32, #tpu.memory_space<vmem>>, vector<16xi32>,
        %bitcast3A_479 = vector.bitcast %get3A_478 : vector<16xi32> to vector<32xbf16>
        %get3A_480 = arith.index_cast %rem3A_62 : i32 to index
        %get3A_481 = arith.index_cast %add3A_474 : i32 to index
        %get3A_482 = arith.constant 0 : index
        %get3A_483 = tpu.vector_load %arg12[%get3A_480, %get3A_481, %get3A_482] {strides = array<i32>} : memref<2x80x64xi32, #tpu.memory_space<vmem>>, vector<16xi32>,
        %bitcast3A_484 = vector.bitcast %get3A_483 : vector<16xi32> to vector<32xbf16>
        %mul3A_485 = arith.mulf %bitcast3A_479, %bitcast3A_484 : vector<32xbf16>
        %get3A_486 = arith.index_cast %rem3A_62 : i32 to index
        %get3A_487 = arith.index_cast %add3A_474 : i32 to index
        %get3A_488 = arith.constant 16 : index
        %get3A_489 = tpu.vector_load %arg11[%get3A_486, %get3A_487, %get3A_488] {strides = array<i32>} : memref<2x80x64xi32, #tpu.memory_space<vmem>>, vector<16xi32>,
        %bitcast3A_490 = vector.bitcast %get3A_489 : vector<16xi32> to vector<32xbf16>
        %get3A_491 = arith.index_cast %rem3A_62 : i32 to index
        %get3A_492 = arith.index_cast %add3A_474 : i32 to index
        %get3A_493 = arith.constant 16 : index
        %get3A_494 = tpu.vector_load %arg12[%get3A_491, %get3A_492, %get3A_493] {strides = array<i32>} : memref<2x80x64xi32, #tpu.memory_space<vmem>>, vector<16xi32>,
        %bitcast3A_495 = vector.bitcast %get3A_494 : vector<16xi32> to vector<32xbf16>
        %mul3A_496 = arith.mulf %bitcast3A_490, %bitcast3A_495 : vector<32xbf16>
        %add3A_497 = arith.addf %mul3A_485, %mul3A_496 : vector<32xbf16>
        %get3A_498 = arith.index_cast %rem3A_62 : i32 to index
        %get3A_499 = arith.index_cast %add3A_474 : i32 to index
        %get3A_500 = arith.constant 32 : index
        %get3A_501 = tpu.vector_load %arg11[%get3A_498, %get3A_499, %get3A_500] {strides = array<i32>} : memref<2x80x64xi32, #tpu.memory_space<vmem>>, vector<16xi32>,
        %bitcast3A_502 = vector.bitcast %get3A_501 : vector<16xi32> to vector<32xbf16>
        %get3A_503 = arith.index_cast %rem3A_62 : i32 to index
        %get3A_504 = arith.index_cast %add3A_474 : i32 to index
        %get3A_505 = arith.constant 32 : index
        %get3A_506 = tpu.vector_load %arg12[%get3A_503, %get3A_504, %get3A_505] {strides = array<i32>} : memref<2x80x64xi32, #tpu.memory_space<vmem>>, vector<16xi32>,
        %bitcast3A_507 = vector.bitcast %get3A_506 : vector<16xi32> to vector<32xbf16>
        %mul3A_508 = arith.mulf %bitcast3A_502, %bitcast3A_507 : vector<32xbf16>
        %add3A_509 = arith.addf %add3A_497, %mul3A_508 : vector<32xbf16>
        %get3A_510 = arith.index_cast %rem3A_62 : i32 to index
        %get3A_511 = arith.index_cast %add3A_474 : i32 to index
        %get3A_512 = arith.constant 48 : index
        %get3A_513 = tpu.vector_load %arg11[%get3A_510, %get3A_511, %get3A_512] {strides = array<i32>} : memref<2x80x64xi32, #tpu.memory_space<vmem>>, vector<16xi32>,
        %bitcast3A_514 = vector.bitcast %get3A_513 : vector<16xi32> to vector<32xbf16>
        %get3A_515 = arith.index_cast %rem3A_62 : i32 to index
        %get3A_516 = arith.index_cast %add3A_474 : i32 to index
        %get3A_517 = arith.constant 48 : index
        %get3A_518 = tpu.vector_load %arg12[%get3A_515, %get3A_516, %get3A_517] {strides = array<i32>} : memref<2x80x64xi32, #tpu.memory_space<vmem>>, vector<16xi32>,
        %bitcast3A_519 = vector.bitcast %get3A_518 : vector<16xi32> to vector<32xbf16>
        %mul3A_520 = arith.mulf %bitcast3A_514, %bitcast3A_519 : vector<32xbf16>
        %add3A_521 = arith.addf %add3A_509, %mul3A_520 : vector<32xbf16>
        %unpack3A_522 = tpu.unpack_subelements %add3A_521, 0 {pack_format = #tpu.pack_format<interleaved>} : vector<32xbf16> -> vector<16xf32>
        %unpack3A_523 = tpu.unpack_subelements %add3A_521, 1 {pack_format = #tpu.pack_format<interleaved>} : vector<32xbf16> -> vector<16xf32>
        %add3A_524 = arith.addf %unpack3A_522, %unpack3A_523 : vector<16xf32>
        %reduce_sum3A_525 = arith.constant true
        %reduce_sum3A_526 = vector.broadcast %reduce_sum3A_525 : i1 to vector<16xi1>
        %reduce_sum3A_527 = tpu.scan <sum>, %add3A_524 masked %reduce_sum3A_526 : vector<16xf32>, vector<16xi1> -> vector<16xf32>
        %reduce_sum3A_528 = vector.extract %reduce_sum3A_527[15] : f32 from vector<16xf32>
        %eq3A_529 = arith.constant 6 : i32
        %eq3A_530 = vector.broadcast %eq3A_529 : i32 to vector<16xi32>
        %eq3A_531 = arith.cmpi eq, %iota3A, %eq3A_530 : vector<16xi32>
        %broadcast_in_dim3A_532 = vector.broadcast %reduce_sum3A_528 : f32 to vector<16xf32>
        %select_n3A_533 = arith.select %eq3A_531, %broadcast_in_dim3A_532, %select_n3A_472 : vector<16xi1>, vector<16xf32>
        %add3A_534 = arith.constant 7 : i32
        %add3A_535 = arith.addi %mul3A_111, %add3A_534 : i32
        %get3A_536 = arith.index_cast %rem3A_62 : i32 to index
        %get3A_537 = arith.index_cast %add3A_535 : i32 to index
        %get3A_538 = arith.constant 0 : index
        %get3A_539 = tpu.vector_load %arg11[%get3A_536, %get3A_537, %get3A_538] {strides = array<i32>} : memref<2x80x64xi32, #tpu.memory_space<vmem>>, vector<16xi32>,
        %bitcast3A_540 = vector.bitcast %get3A_539 : vector<16xi32> to vector<32xbf16>
        %get3A_541 = arith.index_cast %rem3A_62 : i32 to index
        %get3A_542 = arith.index_cast %add3A_535 : i32 to index
        %get3A_543 = arith.constant 0 : index
        %get3A_544 = tpu.vector_load %arg12[%get3A_541, %get3A_542, %get3A_543] {strides = array<i32>} : memref<2x80x64xi32, #tpu.memory_space<vmem>>, vector<16xi32>,
        %bitcast3A_545 = vector.bitcast %get3A_544 : vector<16xi32> to vector<32xbf16>
        %mul3A_546 = arith.mulf %bitcast3A_540, %bitcast3A_545 : vector<32xbf16>
        %get3A_547 = arith.index_cast %rem3A_62 : i32 to index
        %get3A_548 = arith.index_cast %add3A_535 : i32 to index
        %get3A_549 = arith.constant 16 : index
        %get3A_550 = tpu.vector_load %arg11[%get3A_547, %get3A_548, %get3A_549] {strides = array<i32>} : memref<2x80x64xi32, #tpu.memory_space<vmem>>, vector<16xi32>,
        %bitcast3A_551 = vector.bitcast %get3A_550 : vector<16xi32> to vector<32xbf16>
        %get3A_552 = arith.index_cast %rem3A_62 : i32 to index
        %get3A_553 = arith.index_cast %add3A_535 : i32 to index
        %get3A_554 = arith.constant 16 : index
        %get3A_555 = tpu.vector_load %arg12[%get3A_552, %get3A_553, %get3A_554] {strides = array<i32>} : memref<2x80x64xi32, #tpu.memory_space<vmem>>, vector<16xi32>,
        %bitcast3A_556 = vector.bitcast %get3A_555 : vector<16xi32> to vector<32xbf16>
        %mul3A_557 = arith.mulf %bitcast3A_551, %bitcast3A_556 : vector<32xbf16>
        %add3A_558 = arith.addf %mul3A_546, %mul3A_557 : vector<32xbf16>
        %get3A_559 = arith.index_cast %rem3A_62 : i32 to index
        %get3A_560 = arith.index_cast %add3A_535 : i32 to index
        %get3A_561 = arith.constant 32 : index
        %get3A_562 = tpu.vector_load %arg11[%get3A_559, %get3A_560, %get3A_561] {strides = array<i32>} : memref<2x80x64xi32, #tpu.memory_space<vmem>>, vector<16xi32>,
        %bitcast3A_563 = vector.bitcast %get3A_562 : vector<16xi32> to vector<32xbf16>
        %get3A_564 = arith.index_cast %rem3A_62 : i32 to index
        %get3A_565 = arith.index_cast %add3A_535 : i32 to index
        %get3A_566 = arith.constant 32 : index
        %get3A_567 = tpu.vector_load %arg12[%get3A_564, %get3A_565, %get3A_566] {strides = array<i32>} : memref<2x80x64xi32, #tpu.memory_space<vmem>>, vector<16xi32>,
        %bitcast3A_568 = vector.bitcast %get3A_567 : vector<16xi32> to vector<32xbf16>
        %mul3A_569 = arith.mulf %bitcast3A_563, %bitcast3A_568 : vector<32xbf16>
        %add3A_570 = arith.addf %add3A_558, %mul3A_569 : vector<32xbf16>
        %get3A_571 = arith.index_cast %rem3A_62 : i32 to index
        %get3A_572 = arith.index_cast %add3A_535 : i32 to index
        %get3A_573 = arith.constant 48 : index
        %get3A_574 = tpu.vector_load %arg11[%get3A_571, %get3A_572, %get3A_573] {strides = array<i32>} : memref<2x80x64xi32, #tpu.memory_space<vmem>>, vector<16xi32>,
        %bitcast3A_575 = vector.bitcast %get3A_574 : vector<16xi32> to vector<32xbf16>
        %get3A_576 = arith.index_cast %rem3A_62 : i32 to index
        %get3A_577 = arith.index_cast %add3A_535 : i32 to index
        %get3A_578 = arith.constant 48 : index
        %get3A_579 = tpu.vector_load %arg12[%get3A_576, %get3A_577, %get3A_578] {strides = array<i32>} : memref<2x80x64xi32, #tpu.memory_space<vmem>>, vector<16xi32>,
        %bitcast3A_580 = vector.bitcast %get3A_579 : vector<16xi32> to vector<32xbf16>
        %mul3A_581 = arith.mulf %bitcast3A_575, %bitcast3A_580 : vector<32xbf16>
        %add3A_582 = arith.addf %add3A_570, %mul3A_581 : vector<32xbf16>
        %unpack3A_583 = tpu.unpack_subelements %add3A_582, 0 {pack_format = #tpu.pack_format<interleaved>} : vector<32xbf16> -> vector<16xf32>
        %unpack3A_584 = tpu.unpack_subelements %add3A_582, 1 {pack_format = #tpu.pack_format<interleaved>} : vector<32xbf16> -> vector<16xf32>
        %add3A_585 = arith.addf %unpack3A_583, %unpack3A_584 : vector<16xf32>
        %reduce_sum3A_586 = arith.constant true
        %reduce_sum3A_587 = vector.broadcast %reduce_sum3A_586 : i1 to vector<16xi1>
        %reduce_sum3A_588 = tpu.scan <sum>, %add3A_585 masked %reduce_sum3A_587 : vector<16xf32>, vector<16xi1> -> vector<16xf32>
        %reduce_sum3A_589 = vector.extract %reduce_sum3A_588[15] : f32 from vector<16xf32>
        %eq3A_590 = arith.constant 7 : i32
        %eq3A_591 = vector.broadcast %eq3A_590 : i32 to vector<16xi32>
        %eq3A_592 = arith.cmpi eq, %iota3A, %eq3A_591 : vector<16xi32>
        %broadcast_in_dim3A_593 = vector.broadcast %reduce_sum3A_589 : f32 to vector<16xf32>
        %select_n3A_594 = arith.select %eq3A_592, %broadcast_in_dim3A_593, %select_n3A_533 : vector<16xi1>, vector<16xf32>
        %add3A_595 = arith.constant 8 : i32
        %add3A_596 = arith.addi %mul3A_111, %add3A_595 : i32
        %get3A_597 = arith.index_cast %rem3A_62 : i32 to index
        %get3A_598 = arith.index_cast %add3A_596 : i32 to index
        %get3A_599 = arith.constant 0 : index
        %get3A_600 = tpu.vector_load %arg11[%get3A_597, %get3A_598, %get3A_599] {strides = array<i32>} : memref<2x80x64xi32, #tpu.memory_space<vmem>>, vector<16xi32>,
        %bitcast3A_601 = vector.bitcast %get3A_600 : vector<16xi32> to vector<32xbf16>
        %get3A_602 = arith.index_cast %rem3A_62 : i32 to index
        %get3A_603 = arith.index_cast %add3A_596 : i32 to index
        %get3A_604 = arith.constant 0 : index
        %get3A_605 = tpu.vector_load %arg12[%get3A_602, %get3A_603, %get3A_604] {strides = array<i32>} : memref<2x80x64xi32, #tpu.memory_space<vmem>>, vector<16xi32>,
        %bitcast3A_606 = vector.bitcast %get3A_605 : vector<16xi32> to vector<32xbf16>
        %mul3A_607 = arith.mulf %bitcast3A_601, %bitcast3A_606 : vector<32xbf16>
        %get3A_608 = arith.index_cast %rem3A_62 : i32 to index
        %get3A_609 = arith.index_cast %add3A_596 : i32 to index
        %get3A_610 = arith.constant 16 : index
        %get3A_611 = tpu.vector_load %arg11[%get3A_608, %get3A_609, %get3A_610] {strides = array<i32>} : memref<2x80x64xi32, #tpu.memory_space<vmem>>, vector<16xi32>,
        %bitcast3A_612 = vector.bitcast %get3A_611 : vector<16xi32> to vector<32xbf16>
        %get3A_613 = arith.index_cast %rem3A_62 : i32 to index
        %get3A_614 = arith.index_cast %add3A_596 : i32 to index
        %get3A_615 = arith.constant 16 : index
        %get3A_616 = tpu.vector_load %arg12[%get3A_613, %get3A_614, %get3A_615] {strides = array<i32>} : memref<2x80x64xi32, #tpu.memory_space<vmem>>, vector<16xi32>,
        %bitcast3A_617 = vector.bitcast %get3A_616 : vector<16xi32> to vector<32xbf16>
        %mul3A_618 = arith.mulf %bitcast3A_612, %bitcast3A_617 : vector<32xbf16>
        %add3A_619 = arith.addf %mul3A_607, %mul3A_618 : vector<32xbf16>
        %get3A_620 = arith.index_cast %rem3A_62 : i32 to index
        %get3A_621 = arith.index_cast %add3A_596 : i32 to index
        %get3A_622 = arith.constant 32 : index
        %get3A_623 = tpu.vector_load %arg11[%get3A_620, %get3A_621, %get3A_622] {strides = array<i32>} : memref<2x80x64xi32, #tpu.memory_space<vmem>>, vector<16xi32>,
        %bitcast3A_624 = vector.bitcast %get3A_623 : vector<16xi32> to vector<32xbf16>
        %get3A_625 = arith.index_cast %rem3A_62 : i32 to index
        %get3A_626 = arith.index_cast %add3A_596 : i32 to index
        %get3A_627 = arith.constant 32 : index
        %get3A_628 = tpu.vector_load %arg12[%get3A_625, %get3A_626, %get3A_627] {strides = array<i32>} : memref<2x80x64xi32, #tpu.memory_space<vmem>>, vector<16xi32>,
        %bitcast3A_629 = vector.bitcast %get3A_628 : vector<16xi32> to vector<32xbf16>
        %mul3A_630 = arith.mulf %bitcast3A_624, %bitcast3A_629 : vector<32xbf16>
        %add3A_631 = arith.addf %add3A_619, %mul3A_630 : vector<32xbf16>
        %get3A_632 = arith.index_cast %rem3A_62 : i32 to index
        %get3A_633 = arith.index_cast %add3A_596 : i32 to index
        %get3A_634 = arith.constant 48 : index
        %get3A_635 = tpu.vector_load %arg11[%get3A_632, %get3A_633, %get3A_634] {strides = array<i32>} : memref<2x80x64xi32, #tpu.memory_space<vmem>>, vector<16xi32>,
        %bitcast3A_636 = vector.bitcast %get3A_635 : vector<16xi32> to vector<32xbf16>
        %get3A_637 = arith.index_cast %rem3A_62 : i32 to index
        %get3A_638 = arith.index_cast %add3A_596 : i32 to index
        %get3A_639 = arith.constant 48 : index
        %get3A_640 = tpu.vector_load %arg12[%get3A_637, %get3A_638, %get3A_639] {strides = array<i32>} : memref<2x80x64xi32, #tpu.memory_space<vmem>>, vector<16xi32>,
        %bitcast3A_641 = vector.bitcast %get3A_640 : vector<16xi32> to vector<32xbf16>
        %mul3A_642 = arith.mulf %bitcast3A_636, %bitcast3A_641 : vector<32xbf16>
        %add3A_643 = arith.addf %add3A_631, %mul3A_642 : vector<32xbf16>
        %unpack3A_644 = tpu.unpack_subelements %add3A_643, 0 {pack_format = #tpu.pack_format<interleaved>} : vector<32xbf16> -> vector<16xf32>
        %unpack3A_645 = tpu.unpack_subelements %add3A_643, 1 {pack_format = #tpu.pack_format<interleaved>} : vector<32xbf16> -> vector<16xf32>
        %add3A_646 = arith.addf %unpack3A_644, %unpack3A_645 : vector<16xf32>
        %reduce_sum3A_647 = arith.constant true
        %reduce_sum3A_648 = vector.broadcast %reduce_sum3A_647 : i1 to vector<16xi1>
        %reduce_sum3A_649 = tpu.scan <sum>, %add3A_646 masked %reduce_sum3A_648 : vector<16xf32>, vector<16xi1> -> vector<16xf32>
        %reduce_sum3A_650 = vector.extract %reduce_sum3A_649[15] : f32 from vector<16xf32>
        %eq3A_651 = arith.constant 8 : i32
        %eq3A_652 = vector.broadcast %eq3A_651 : i32 to vector<16xi32>
        %eq3A_653 = arith.cmpi eq, %iota3A, %eq3A_652 : vector<16xi32>
        %broadcast_in_dim3A_654 = vector.broadcast %reduce_sum3A_650 : f32 to vector<16xf32>
        %select_n3A_655 = arith.select %eq3A_653, %broadcast_in_dim3A_654, %select_n3A_594 : vector<16xi1>, vector<16xf32>
        %add3A_656 = arith.constant 9 : i32
        %add3A_657 = arith.addi %mul3A_111, %add3A_656 : i32
        %get3A_658 = arith.index_cast %rem3A_62 : i32 to index
        %get3A_659 = arith.index_cast %add3A_657 : i32 to index
        %get3A_660 = arith.constant 0 : index
        %get3A_661 = tpu.vector_load %arg11[%get3A_658, %get3A_659, %get3A_660] {strides = array<i32>} : memref<2x80x64xi32, #tpu.memory_space<vmem>>, vector<16xi32>,
        %bitcast3A_662 = vector.bitcast %get3A_661 : vector<16xi32> to vector<32xbf16>
        %get3A_663 = arith.index_cast %rem3A_62 : i32 to index
        %get3A_664 = arith.index_cast %add3A_657 : i32 to index
        %get3A_665 = arith.constant 0 : index
        %get3A_666 = tpu.vector_load %arg12[%get3A_663, %get3A_664, %get3A_665] {strides = array<i32>} : memref<2x80x64xi32, #tpu.memory_space<vmem>>, vector<16xi32>,
        %bitcast3A_667 = vector.bitcast %get3A_666 : vector<16xi32> to vector<32xbf16>
        %mul3A_668 = arith.mulf %bitcast3A_662, %bitcast3A_667 : vector<32xbf16>
        %get3A_669 = arith.index_cast %rem3A_62 : i32 to index
        %get3A_670 = arith.index_cast %add3A_657 : i32 to index
        %get3A_671 = arith.constant 16 : index
        %get3A_672 = tpu.vector_load %arg11[%get3A_669, %get3A_670, %get3A_671] {strides = array<i32>} : memref<2x80x64xi32, #tpu.memory_space<vmem>>, vector<16xi32>,
        %bitcast3A_673 = vector.bitcast %get3A_672 : vector<16xi32> to vector<32xbf16>
        %get3A_674 = arith.index_cast %rem3A_62 : i32 to index
        %get3A_675 = arith.index_cast %add3A_657 : i32 to index
        %get3A_676 = arith.constant 16 : index
        %get3A_677 = tpu.vector_load %arg12[%get3A_674, %get3A_675, %get3A_676] {strides = array<i32>} : memref<2x80x64xi32, #tpu.memory_space<vmem>>, vector<16xi32>,
        %bitcast3A_678 = vector.bitcast %get3A_677 : vector<16xi32> to vector<32xbf16>
        %mul3A_679 = arith.mulf %bitcast3A_673, %bitcast3A_678 : vector<32xbf16>
        %add3A_680 = arith.addf %mul3A_668, %mul3A_679 : vector<32xbf16>
        %get3A_681 = arith.index_cast %rem3A_62 : i32 to index
        %get3A_682 = arith.index_cast %add3A_657 : i32 to index
        %get3A_683 = arith.constant 32 : index
        %get3A_684 = tpu.vector_load %arg11[%get3A_681, %get3A_682, %get3A_683] {strides = array<i32>} : memref<2x80x64xi32, #tpu.memory_space<vmem>>, vector<16xi32>,
        %bitcast3A_685 = vector.bitcast %get3A_684 : vector<16xi32> to vector<32xbf16>
        %get3A_686 = arith.index_cast %rem3A_62 : i32 to index
        %get3A_687 = arith.index_cast %add3A_657 : i32 to index
        %get3A_688 = arith.constant 32 : index
        %get3A_689 = tpu.vector_load %arg12[%get3A_686, %get3A_687, %get3A_688] {strides = array<i32>} : memref<2x80x64xi32, #tpu.memory_space<vmem>>, vector<16xi32>,
        %bitcast3A_690 = vector.bitcast %get3A_689 : vector<16xi32> to vector<32xbf16>
        %mul3A_691 = arith.mulf %bitcast3A_685, %bitcast3A_690 : vector<32xbf16>
        %add3A_692 = arith.addf %add3A_680, %mul3A_691 : vector<32xbf16>
        %get3A_693 = arith.index_cast %rem3A_62 : i32 to index
        %get3A_694 = arith.index_cast %add3A_657 : i32 to index
        %get3A_695 = arith.constant 48 : index
        %get3A_696 = tpu.vector_load %arg11[%get3A_693, %get3A_694, %get3A_695] {strides = array<i32>} : memref<2x80x64xi32, #tpu.memory_space<vmem>>, vector<16xi32>,
        %bitcast3A_697 = vector.bitcast %get3A_696 : vector<16xi32> to vector<32xbf16>
        %get3A_698 = arith.index_cast %rem3A_62 : i32 to index
        %get3A_699 = arith.index_cast %add3A_657 : i32 to index
        %get3A_700 = arith.constant 48 : index
        %get3A_701 = tpu.vector_load %arg12[%get3A_698, %get3A_699, %get3A_700] {strides = array<i32>} : memref<2x80x64xi32, #tpu.memory_space<vmem>>, vector<16xi32>,
        %bitcast3A_702 = vector.bitcast %get3A_701 : vector<16xi32> to vector<32xbf16>
        %mul3A_703 = arith.mulf %bitcast3A_697, %bitcast3A_702 : vector<32xbf16>
        %add3A_704 = arith.addf %add3A_692, %mul3A_703 : vector<32xbf16>
        %unpack3A_705 = tpu.unpack_subelements %add3A_704, 0 {pack_format = #tpu.pack_format<interleaved>} : vector<32xbf16> -> vector<16xf32>
        %unpack3A_706 = tpu.unpack_subelements %add3A_704, 1 {pack_format = #tpu.pack_format<interleaved>} : vector<32xbf16> -> vector<16xf32>
        %add3A_707 = arith.addf %unpack3A_705, %unpack3A_706 : vector<16xf32>
        %reduce_sum3A_708 = arith.constant true
        %reduce_sum3A_709 = vector.broadcast %reduce_sum3A_708 : i1 to vector<16xi1>
        %reduce_sum3A_710 = tpu.scan <sum>, %add3A_707 masked %reduce_sum3A_709 : vector<16xf32>, vector<16xi1> -> vector<16xf32>
        %reduce_sum3A_711 = vector.extract %reduce_sum3A_710[15] : f32 from vector<16xf32>
        %eq3A_712 = arith.constant 9 : i32
        %eq3A_713 = vector.broadcast %eq3A_712 : i32 to vector<16xi32>
        %eq3A_714 = arith.cmpi eq, %iota3A, %eq3A_713 : vector<16xi32>
        %broadcast_in_dim3A_715 = vector.broadcast %reduce_sum3A_711 : f32 to vector<16xf32>
        %select_n3A_716 = arith.select %eq3A_714, %broadcast_in_dim3A_715, %select_n3A_655 : vector<16xi1>, vector<16xf32>
        %add3A_717 = arith.constant 10 : i32
        %add3A_718 = arith.addi %mul3A_111, %add3A_717 : i32
        %get3A_719 = arith.index_cast %rem3A_62 : i32 to index
        %get3A_720 = arith.index_cast %add3A_718 : i32 to index
        %get3A_721 = arith.constant 0 : index
        %get3A_722 = tpu.vector_load %arg11[%get3A_719, %get3A_720, %get3A_721] {strides = array<i32>} : memref<2x80x64xi32, #tpu.memory_space<vmem>>, vector<16xi32>,
        %bitcast3A_723 = vector.bitcast %get3A_722 : vector<16xi32> to vector<32xbf16>
        %get3A_724 = arith.index_cast %rem3A_62 : i32 to index
        %get3A_725 = arith.index_cast %add3A_718 : i32 to index
        %get3A_726 = arith.constant 0 : index
        %get3A_727 = tpu.vector_load %arg12[%get3A_724, %get3A_725, %get3A_726] {strides = array<i32>} : memref<2x80x64xi32, #tpu.memory_space<vmem>>, vector<16xi32>,
        %bitcast3A_728 = vector.bitcast %get3A_727 : vector<16xi32> to vector<32xbf16>
        %mul3A_729 = arith.mulf %bitcast3A_723, %bitcast3A_728 : vector<32xbf16>
        %get3A_730 = arith.index_cast %rem3A_62 : i32 to index
        %get3A_731 = arith.index_cast %add3A_718 : i32 to index
        %get3A_732 = arith.constant 16 : index
        %get3A_733 = tpu.vector_load %arg11[%get3A_730, %get3A_731, %get3A_732] {strides = array<i32>} : memref<2x80x64xi32, #tpu.memory_space<vmem>>, vector<16xi32>,
        %bitcast3A_734 = vector.bitcast %get3A_733 : vector<16xi32> to vector<32xbf16>
        %get3A_735 = arith.index_cast %rem3A_62 : i32 to index
        %get3A_736 = arith.index_cast %add3A_718 : i32 to index
        %get3A_737 = arith.constant 16 : index
        %get3A_738 = tpu.vector_load %arg12[%get3A_735, %get3A_736, %get3A_737] {strides = array<i32>} : memref<2x80x64xi32, #tpu.memory_space<vmem>>, vector<16xi32>,
        %bitcast3A_739 = vector.bitcast %get3A_738 : vector<16xi32> to vector<32xbf16>
        %mul3A_740 = arith.mulf %bitcast3A_734, %bitcast3A_739 : vector<32xbf16>
        %add3A_741 = arith.addf %mul3A_729, %mul3A_740 : vector<32xbf16>
        %get3A_742 = arith.index_cast %rem3A_62 : i32 to index
        %get3A_743 = arith.index_cast %add3A_718 : i32 to index
        %get3A_744 = arith.constant 32 : index
        %get3A_745 = tpu.vector_load %arg11[%get3A_742, %get3A_743, %get3A_744] {strides = array<i32>} : memref<2x80x64xi32, #tpu.memory_space<vmem>>, vector<16xi32>,
        %bitcast3A_746 = vector.bitcast %get3A_745 : vector<16xi32> to vector<32xbf16>
        %get3A_747 = arith.index_cast %rem3A_62 : i32 to index
        %get3A_748 = arith.index_cast %add3A_718 : i32 to index
        %get3A_749 = arith.constant 32 : index
        %get3A_750 = tpu.vector_load %arg12[%get3A_747, %get3A_748, %get3A_749] {strides = array<i32>} : memref<2x80x64xi32, #tpu.memory_space<vmem>>, vector<16xi32>,
        %bitcast3A_751 = vector.bitcast %get3A_750 : vector<16xi32> to vector<32xbf16>
        %mul3A_752 = arith.mulf %bitcast3A_746, %bitcast3A_751 : vector<32xbf16>
        %add3A_753 = arith.addf %add3A_741, %mul3A_752 : vector<32xbf16>
        %get3A_754 = arith.index_cast %rem3A_62 : i32 to index
        %get3A_755 = arith.index_cast %add3A_718 : i32 to index
        %get3A_756 = arith.constant 48 : index
        %get3A_757 = tpu.vector_load %arg11[%get3A_754, %get3A_755, %get3A_756] {strides = array<i32>} : memref<2x80x64xi32, #tpu.memory_space<vmem>>, vector<16xi32>,
        %bitcast3A_758 = vector.bitcast %get3A_757 : vector<16xi32> to vector<32xbf16>
        %get3A_759 = arith.index_cast %rem3A_62 : i32 to index
        %get3A_760 = arith.index_cast %add3A_718 : i32 to index
        %get3A_761 = arith.constant 48 : index
        %get3A_762 = tpu.vector_load %arg12[%get3A_759, %get3A_760, %get3A_761] {strides = array<i32>} : memref<2x80x64xi32, #tpu.memory_space<vmem>>, vector<16xi32>,
        %bitcast3A_763 = vector.bitcast %get3A_762 : vector<16xi32> to vector<32xbf16>
        %mul3A_764 = arith.mulf %bitcast3A_758, %bitcast3A_763 : vector<32xbf16>
        %add3A_765 = arith.addf %add3A_753, %mul3A_764 : vector<32xbf16>
        %unpack3A_766 = tpu.unpack_subelements %add3A_765, 0 {pack_format = #tpu.pack_format<interleaved>} : vector<32xbf16> -> vector<16xf32>
        %unpack3A_767 = tpu.unpack_subelements %add3A_765, 1 {pack_format = #tpu.pack_format<interleaved>} : vector<32xbf16> -> vector<16xf32>
        %add3A_768 = arith.addf %unpack3A_766, %unpack3A_767 : vector<16xf32>
        %reduce_sum3A_769 = arith.constant true
        %reduce_sum3A_770 = vector.broadcast %reduce_sum3A_769 : i1 to vector<16xi1>
        %reduce_sum3A_771 = tpu.scan <sum>, %add3A_768 masked %reduce_sum3A_770 : vector<16xf32>, vector<16xi1> -> vector<16xf32>
        %reduce_sum3A_772 = vector.extract %reduce_sum3A_771[15] : f32 from vector<16xf32>
        %eq3A_773 = arith.constant 10 : i32
        %eq3A_774 = vector.broadcast %eq3A_773 : i32 to vector<16xi32>
        %eq3A_775 = arith.cmpi eq, %iota3A, %eq3A_774 : vector<16xi32>
        %broadcast_in_dim3A_776 = vector.broadcast %reduce_sum3A_772 : f32 to vector<16xf32>
        %select_n3A_777 = arith.select %eq3A_775, %broadcast_in_dim3A_776, %select_n3A_716 : vector<16xi1>, vector<16xf32>
        %add3A_778 = arith.constant 11 : i32
        %add3A_779 = arith.addi %mul3A_111, %add3A_778 : i32
        %get3A_780 = arith.index_cast %rem3A_62 : i32 to index
        %get3A_781 = arith.index_cast %add3A_779 : i32 to index
        %get3A_782 = arith.constant 0 : index
        %get3A_783 = tpu.vector_load %arg11[%get3A_780, %get3A_781, %get3A_782] {strides = array<i32>} : memref<2x80x64xi32, #tpu.memory_space<vmem>>, vector<16xi32>,
        %bitcast3A_784 = vector.bitcast %get3A_783 : vector<16xi32> to vector<32xbf16>
        %get3A_785 = arith.index_cast %rem3A_62 : i32 to index
        %get3A_786 = arith.index_cast %add3A_779 : i32 to index
        %get3A_787 = arith.constant 0 : index
        %get3A_788 = tpu.vector_load %arg12[%get3A_785, %get3A_786, %get3A_787] {strides = array<i32>} : memref<2x80x64xi32, #tpu.memory_space<vmem>>, vector<16xi32>,
        %bitcast3A_789 = vector.bitcast %get3A_788 : vector<16xi32> to vector<32xbf16>
        %mul3A_790 = arith.mulf %bitcast3A_784, %bitcast3A_789 : vector<32xbf16>
        %get3A_791 = arith.index_cast %rem3A_62 : i32 to index
        %get3A_792 = arith.index_cast %add3A_779 : i32 to index
        %get3A_793 = arith.constant 16 : index
        %get3A_794 = tpu.vector_load %arg11[%get3A_791, %get3A_792, %get3A_793] {strides = array<i32>} : memref<2x80x64xi32, #tpu.memory_space<vmem>>, vector<16xi32>,
        %bitcast3A_795 = vector.bitcast %get3A_794 : vector<16xi32> to vector<32xbf16>
        %get3A_796 = arith.index_cast %rem3A_62 : i32 to index
        %get3A_797 = arith.index_cast %add3A_779 : i32 to index
        %get3A_798 = arith.constant 16 : index
        %get3A_799 = tpu.vector_load %arg12[%get3A_796, %get3A_797, %get3A_798] {strides = array<i32>} : memref<2x80x64xi32, #tpu.memory_space<vmem>>, vector<16xi32>,
        %bitcast3A_800 = vector.bitcast %get3A_799 : vector<16xi32> to vector<32xbf16>
        %mul3A_801 = arith.mulf %bitcast3A_795, %bitcast3A_800 : vector<32xbf16>
        %add3A_802 = arith.addf %mul3A_790, %mul3A_801 : vector<32xbf16>
        %get3A_803 = arith.index_cast %rem3A_62 : i32 to index
        %get3A_804 = arith.index_cast %add3A_779 : i32 to index
        %get3A_805 = arith.constant 32 : index
        %get3A_806 = tpu.vector_load %arg11[%get3A_803, %get3A_804, %get3A_805] {strides = array<i32>} : memref<2x80x64xi32, #tpu.memory_space<vmem>>, vector<16xi32>,
        %bitcast3A_807 = vector.bitcast %get3A_806 : vector<16xi32> to vector<32xbf16>
        %get3A_808 = arith.index_cast %rem3A_62 : i32 to index
        %get3A_809 = arith.index_cast %add3A_779 : i32 to index
        %get3A_810 = arith.constant 32 : index
        %get3A_811 = tpu.vector_load %arg12[%get3A_808, %get3A_809, %get3A_810] {strides = array<i32>} : memref<2x80x64xi32, #tpu.memory_space<vmem>>, vector<16xi32>,
        %bitcast3A_812 = vector.bitcast %get3A_811 : vector<16xi32> to vector<32xbf16>
        %mul3A_813 = arith.mulf %bitcast3A_807, %bitcast3A_812 : vector<32xbf16>
        %add3A_814 = arith.addf %add3A_802, %mul3A_813 : vector<32xbf16>
        %get3A_815 = arith.index_cast %rem3A_62 : i32 to index
        %get3A_816 = arith.index_cast %add3A_779 : i32 to index
        %get3A_817 = arith.constant 48 : index
        %get3A_818 = tpu.vector_load %arg11[%get3A_815, %get3A_816, %get3A_817] {strides = array<i32>} : memref<2x80x64xi32, #tpu.memory_space<vmem>>, vector<16xi32>,
        %bitcast3A_819 = vector.bitcast %get3A_818 : vector<16xi32> to vector<32xbf16>
        %get3A_820 = arith.index_cast %rem3A_62 : i32 to index
        %get3A_821 = arith.index_cast %add3A_779 : i32 to index
        %get3A_822 = arith.constant 48 : index
        %get3A_823 = tpu.vector_load %arg12[%get3A_820, %get3A_821, %get3A_822] {strides = array<i32>} : memref<2x80x64xi32, #tpu.memory_space<vmem>>, vector<16xi32>,
        %bitcast3A_824 = vector.bitcast %get3A_823 : vector<16xi32> to vector<32xbf16>
        %mul3A_825 = arith.mulf %bitcast3A_819, %bitcast3A_824 : vector<32xbf16>
        %add3A_826 = arith.addf %add3A_814, %mul3A_825 : vector<32xbf16>
        %unpack3A_827 = tpu.unpack_subelements %add3A_826, 0 {pack_format = #tpu.pack_format<interleaved>} : vector<32xbf16> -> vector<16xf32>
        %unpack3A_828 = tpu.unpack_subelements %add3A_826, 1 {pack_format = #tpu.pack_format<interleaved>} : vector<32xbf16> -> vector<16xf32>
        %add3A_829 = arith.addf %unpack3A_827, %unpack3A_828 : vector<16xf32>
        %reduce_sum3A_830 = arith.constant true
        %reduce_sum3A_831 = vector.broadcast %reduce_sum3A_830 : i1 to vector<16xi1>
        %reduce_sum3A_832 = tpu.scan <sum>, %add3A_829 masked %reduce_sum3A_831 : vector<16xf32>, vector<16xi1> -> vector<16xf32>
        %reduce_sum3A_833 = vector.extract %reduce_sum3A_832[15] : f32 from vector<16xf32>
        %eq3A_834 = arith.constant 11 : i32
        %eq3A_835 = vector.broadcast %eq3A_834 : i32 to vector<16xi32>
        %eq3A_836 = arith.cmpi eq, %iota3A, %eq3A_835 : vector<16xi32>
        %broadcast_in_dim3A_837 = vector.broadcast %reduce_sum3A_833 : f32 to vector<16xf32>
        %select_n3A_838 = arith.select %eq3A_836, %broadcast_in_dim3A_837, %select_n3A_777 : vector<16xi1>, vector<16xf32>
        %add3A_839 = arith.constant 12 : i32
        %add3A_840 = arith.addi %mul3A_111, %add3A_839 : i32
        %get3A_841 = arith.index_cast %rem3A_62 : i32 to index
        %get3A_842 = arith.index_cast %add3A_840 : i32 to index
        %get3A_843 = arith.constant 0 : index
        %get3A_844 = tpu.vector_load %arg11[%get3A_841, %get3A_842, %get3A_843] {strides = array<i32>} : memref<2x80x64xi32, #tpu.memory_space<vmem>>, vector<16xi32>,
        %bitcast3A_845 = vector.bitcast %get3A_844 : vector<16xi32> to vector<32xbf16>
        %get3A_846 = arith.index_cast %rem3A_62 : i32 to index
        %get3A_847 = arith.index_cast %add3A_840 : i32 to index
        %get3A_848 = arith.constant 0 : index
        %get3A_849 = tpu.vector_load %arg12[%get3A_846, %get3A_847, %get3A_848] {strides = array<i32>} : memref<2x80x64xi32, #tpu.memory_space<vmem>>, vector<16xi32>,
        %bitcast3A_850 = vector.bitcast %get3A_849 : vector<16xi32> to vector<32xbf16>
        %mul3A_851 = arith.mulf %bitcast3A_845, %bitcast3A_850 : vector<32xbf16>
        %get3A_852 = arith.index_cast %rem3A_62 : i32 to index
        %get3A_853 = arith.index_cast %add3A_840 : i32 to index
        %get3A_854 = arith.constant 16 : index
        %get3A_855 = tpu.vector_load %arg11[%get3A_852, %get3A_853, %get3A_854] {strides = array<i32>} : memref<2x80x64xi32, #tpu.memory_space<vmem>>, vector<16xi32>,
        %bitcast3A_856 = vector.bitcast %get3A_855 : vector<16xi32> to vector<32xbf16>
        %get3A_857 = arith.index_cast %rem3A_62 : i32 to index
        %get3A_858 = arith.index_cast %add3A_840 : i32 to index
        %get3A_859 = arith.constant 16 : index
        %get3A_860 = tpu.vector_load %arg12[%get3A_857, %get3A_858, %get3A_859] {strides = array<i32>} : memref<2x80x64xi32, #tpu.memory_space<vmem>>, vector<16xi32>,
        %bitcast3A_861 = vector.bitcast %get3A_860 : vector<16xi32> to vector<32xbf16>
        %mul3A_862 = arith.mulf %bitcast3A_856, %bitcast3A_861 : vector<32xbf16>
        %add3A_863 = arith.addf %mul3A_851, %mul3A_862 : vector<32xbf16>
        %get3A_864 = arith.index_cast %rem3A_62 : i32 to index
        %get3A_865 = arith.index_cast %add3A_840 : i32 to index
        %get3A_866 = arith.constant 32 : index
        %get3A_867 = tpu.vector_load %arg11[%get3A_864, %get3A_865, %get3A_866] {strides = array<i32>} : memref<2x80x64xi32, #tpu.memory_space<vmem>>, vector<16xi32>,
        %bitcast3A_868 = vector.bitcast %get3A_867 : vector<16xi32> to vector<32xbf16>
        %get3A_869 = arith.index_cast %rem3A_62 : i32 to index
        %get3A_870 = arith.index_cast %add3A_840 : i32 to index
        %get3A_871 = arith.constant 32 : index
        %get3A_872 = tpu.vector_load %arg12[%get3A_869, %get3A_870, %get3A_871] {strides = array<i32>} : memref<2x80x64xi32, #tpu.memory_space<vmem>>, vector<16xi32>,
        %bitcast3A_873 = vector.bitcast %get3A_872 : vector<16xi32> to vector<32xbf16>
        %mul3A_874 = arith.mulf %bitcast3A_868, %bitcast3A_873 : vector<32xbf16>
        %add3A_875 = arith.addf %add3A_863, %mul3A_874 : vector<32xbf16>
        %get3A_876 = arith.index_cast %rem3A_62 : i32 to index
        %get3A_877 = arith.index_cast %add3A_840 : i32 to index
        %get3A_878 = arith.constant 48 : index
        %get3A_879 = tpu.vector_load %arg11[%get3A_876, %get3A_877, %get3A_878] {strides = array<i32>} : memref<2x80x64xi32, #tpu.memory_space<vmem>>, vector<16xi32>,
        %bitcast3A_880 = vector.bitcast %get3A_879 : vector<16xi32> to vector<32xbf16>
        %get3A_881 = arith.index_cast %rem3A_62 : i32 to index
        %get3A_882 = arith.index_cast %add3A_840 : i32 to index
        %get3A_883 = arith.constant 48 : index
        %get3A_884 = tpu.vector_load %arg12[%get3A_881, %get3A_882, %get3A_883] {strides = array<i32>} : memref<2x80x64xi32, #tpu.memory_space<vmem>>, vector<16xi32>,
        %bitcast3A_885 = vector.bitcast %get3A_884 : vector<16xi32> to vector<32xbf16>
        %mul3A_886 = arith.mulf %bitcast3A_880, %bitcast3A_885 : vector<32xbf16>
        %add3A_887 = arith.addf %add3A_875, %mul3A_886 : vector<32xbf16>
        %unpack3A_888 = tpu.unpack_subelements %add3A_887, 0 {pack_format = #tpu.pack_format<interleaved>} : vector<32xbf16> -> vector<16xf32>
        %unpack3A_889 = tpu.unpack_subelements %add3A_887, 1 {pack_format = #tpu.pack_format<interleaved>} : vector<32xbf16> -> vector<16xf32>
        %add3A_890 = arith.addf %unpack3A_888, %unpack3A_889 : vector<16xf32>
        %reduce_sum3A_891 = arith.constant true
        %reduce_sum3A_892 = vector.broadcast %reduce_sum3A_891 : i1 to vector<16xi1>
        %reduce_sum3A_893 = tpu.scan <sum>, %add3A_890 masked %reduce_sum3A_892 : vector<16xf32>, vector<16xi1> -> vector<16xf32>
        %reduce_sum3A_894 = vector.extract %reduce_sum3A_893[15] : f32 from vector<16xf32>
        %eq3A_895 = arith.constant 12 : i32
        %eq3A_896 = vector.broadcast %eq3A_895 : i32 to vector<16xi32>
        %eq3A_897 = arith.cmpi eq, %iota3A, %eq3A_896 : vector<16xi32>
        %broadcast_in_dim3A_898 = vector.broadcast %reduce_sum3A_894 : f32 to vector<16xf32>
        %select_n3A_899 = arith.select %eq3A_897, %broadcast_in_dim3A_898, %select_n3A_838 : vector<16xi1>, vector<16xf32>
        %add3A_900 = arith.constant 13 : i32
        %add3A_901 = arith.addi %mul3A_111, %add3A_900 : i32
        %get3A_902 = arith.index_cast %rem3A_62 : i32 to index
        %get3A_903 = arith.index_cast %add3A_901 : i32 to index
        %get3A_904 = arith.constant 0 : index
        %get3A_905 = tpu.vector_load %arg11[%get3A_902, %get3A_903, %get3A_904] {strides = array<i32>} : memref<2x80x64xi32, #tpu.memory_space<vmem>>, vector<16xi32>,
        %bitcast3A_906 = vector.bitcast %get3A_905 : vector<16xi32> to vector<32xbf16>
        %get3A_907 = arith.index_cast %rem3A_62 : i32 to index
        %get3A_908 = arith.index_cast %add3A_901 : i32 to index
        %get3A_909 = arith.constant 0 : index
        %get3A_910 = tpu.vector_load %arg12[%get3A_907, %get3A_908, %get3A_909] {strides = array<i32>} : memref<2x80x64xi32, #tpu.memory_space<vmem>>, vector<16xi32>,
        %bitcast3A_911 = vector.bitcast %get3A_910 : vector<16xi32> to vector<32xbf16>
        %mul3A_912 = arith.mulf %bitcast3A_906, %bitcast3A_911 : vector<32xbf16>
        %get3A_913 = arith.index_cast %rem3A_62 : i32 to index
        %get3A_914 = arith.index_cast %add3A_901 : i32 to index
        %get3A_915 = arith.constant 16 : index
        %get3A_916 = tpu.vector_load %arg11[%get3A_913, %get3A_914, %get3A_915] {strides = array<i32>} : memref<2x80x64xi32, #tpu.memory_space<vmem>>, vector<16xi32>,
        %bitcast3A_917 = vector.bitcast %get3A_916 : vector<16xi32> to vector<32xbf16>
        %get3A_918 = arith.index_cast %rem3A_62 : i32 to index
        %get3A_919 = arith.index_cast %add3A_901 : i32 to index
        %get3A_920 = arith.constant 16 : index
        %get3A_921 = tpu.vector_load %arg12[%get3A_918, %get3A_919, %get3A_920] {strides = array<i32>} : memref<2x80x64xi32, #tpu.memory_space<vmem>>, vector<16xi32>,
        %bitcast3A_922 = vector.bitcast %get3A_921 : vector<16xi32> to vector<32xbf16>
        %mul3A_923 = arith.mulf %bitcast3A_917, %bitcast3A_922 : vector<32xbf16>
        %add3A_924 = arith.addf %mul3A_912, %mul3A_923 : vector<32xbf16>
        %get3A_925 = arith.index_cast %rem3A_62 : i32 to index
        %get3A_926 = arith.index_cast %add3A_901 : i32 to index
        %get3A_927 = arith.constant 32 : index
        %get3A_928 = tpu.vector_load %arg11[%get3A_925, %get3A_926, %get3A_927] {strides = array<i32>} : memref<2x80x64xi32, #tpu.memory_space<vmem>>, vector<16xi32>,
        %bitcast3A_929 = vector.bitcast %get3A_928 : vector<16xi32> to vector<32xbf16>
        %get3A_930 = arith.index_cast %rem3A_62 : i32 to index
        %get3A_931 = arith.index_cast %add3A_901 : i32 to index
        %get3A_932 = arith.constant 32 : index
        %get3A_933 = tpu.vector_load %arg12[%get3A_930, %get3A_931, %get3A_932] {strides = array<i32>} : memref<2x80x64xi32, #tpu.memory_space<vmem>>, vector<16xi32>,
        %bitcast3A_934 = vector.bitcast %get3A_933 : vector<16xi32> to vector<32xbf16>
        %mul3A_935 = arith.mulf %bitcast3A_929, %bitcast3A_934 : vector<32xbf16>
        %add3A_936 = arith.addf %add3A_924, %mul3A_935 : vector<32xbf16>
        %get3A_937 = arith.index_cast %rem3A_62 : i32 to index
        %get3A_938 = arith.index_cast %add3A_901 : i32 to index
        %get3A_939 = arith.constant 48 : index
        %get3A_940 = tpu.vector_load %arg11[%get3A_937, %get3A_938, %get3A_939] {strides = array<i32>} : memref<2x80x64xi32, #tpu.memory_space<vmem>>, vector<16xi32>,
        %bitcast3A_941 = vector.bitcast %get3A_940 : vector<16xi32> to vector<32xbf16>
        %get3A_942 = arith.index_cast %rem3A_62 : i32 to index
        %get3A_943 = arith.index_cast %add3A_901 : i32 to index
        %get3A_944 = arith.constant 48 : index
        %get3A_945 = tpu.vector_load %arg12[%get3A_942, %get3A_943, %get3A_944] {strides = array<i32>} : memref<2x80x64xi32, #tpu.memory_space<vmem>>, vector<16xi32>,
        %bitcast3A_946 = vector.bitcast %get3A_945 : vector<16xi32> to vector<32xbf16>
        %mul3A_947 = arith.mulf %bitcast3A_941, %bitcast3A_946 : vector<32xbf16>
        %add3A_948 = arith.addf %add3A_936, %mul3A_947 : vector<32xbf16>
        %unpack3A_949 = tpu.unpack_subelements %add3A_948, 0 {pack_format = #tpu.pack_format<interleaved>} : vector<32xbf16> -> vector<16xf32>
        %unpack3A_950 = tpu.unpack_subelements %add3A_948, 1 {pack_format = #tpu.pack_format<interleaved>} : vector<32xbf16> -> vector<16xf32>
        %add3A_951 = arith.addf %unpack3A_949, %unpack3A_950 : vector<16xf32>
        %reduce_sum3A_952 = arith.constant true
        %reduce_sum3A_953 = vector.broadcast %reduce_sum3A_952 : i1 to vector<16xi1>
        %reduce_sum3A_954 = tpu.scan <sum>, %add3A_951 masked %reduce_sum3A_953 : vector<16xf32>, vector<16xi1> -> vector<16xf32>
        %reduce_sum3A_955 = vector.extract %reduce_sum3A_954[15] : f32 from vector<16xf32>
        %eq3A_956 = arith.constant 13 : i32
        %eq3A_957 = vector.broadcast %eq3A_956 : i32 to vector<16xi32>
        %eq3A_958 = arith.cmpi eq, %iota3A, %eq3A_957 : vector<16xi32>
        %broadcast_in_dim3A_959 = vector.broadcast %reduce_sum3A_955 : f32 to vector<16xf32>
        %select_n3A_960 = arith.select %eq3A_958, %broadcast_in_dim3A_959, %select_n3A_899 : vector<16xi1>, vector<16xf32>
        %add3A_961 = arith.constant 14 : i32
        %add3A_962 = arith.addi %mul3A_111, %add3A_961 : i32
        %get3A_963 = arith.index_cast %rem3A_62 : i32 to index
        %get3A_964 = arith.index_cast %add3A_962 : i32 to index
        %get3A_965 = arith.constant 0 : index
        %get3A_966 = tpu.vector_load %arg11[%get3A_963, %get3A_964, %get3A_965] {strides = array<i32>} : memref<2x80x64xi32, #tpu.memory_space<vmem>>, vector<16xi32>,
        %bitcast3A_967 = vector.bitcast %get3A_966 : vector<16xi32> to vector<32xbf16>
        %get3A_968 = arith.index_cast %rem3A_62 : i32 to index
        %get3A_969 = arith.index_cast %add3A_962 : i32 to index
        %get3A_970 = arith.constant 0 : index
        %get3A_971 = tpu.vector_load %arg12[%get3A_968, %get3A_969, %get3A_970] {strides = array<i32>} : memref<2x80x64xi32, #tpu.memory_space<vmem>>, vector<16xi32>,
        %bitcast3A_972 = vector.bitcast %get3A_971 : vector<16xi32> to vector<32xbf16>
        %mul3A_973 = arith.mulf %bitcast3A_967, %bitcast3A_972 : vector<32xbf16>
        %get3A_974 = arith.index_cast %rem3A_62 : i32 to index
        %get3A_975 = arith.index_cast %add3A_962 : i32 to index
        %get3A_976 = arith.constant 16 : index
        %get3A_977 = tpu.vector_load %arg11[%get3A_974, %get3A_975, %get3A_976] {strides = array<i32>} : memref<2x80x64xi32, #tpu.memory_space<vmem>>, vector<16xi32>,
        %bitcast3A_978 = vector.bitcast %get3A_977 : vector<16xi32> to vector<32xbf16>
        %get3A_979 = arith.index_cast %rem3A_62 : i32 to index
        %get3A_980 = arith.index_cast %add3A_962 : i32 to index
        %get3A_981 = arith.constant 16 : index
        %get3A_982 = tpu.vector_load %arg12[%get3A_979, %get3A_980, %get3A_981] {strides = array<i32>} : memref<2x80x64xi32, #tpu.memory_space<vmem>>, vector<16xi32>,
        %bitcast3A_983 = vector.bitcast %get3A_982 : vector<16xi32> to vector<32xbf16>
        %mul3A_984 = arith.mulf %bitcast3A_978, %bitcast3A_983 : vector<32xbf16>
        %add3A_985 = arith.addf %mul3A_973, %mul3A_984 : vector<32xbf16>
        %get3A_986 = arith.index_cast %rem3A_62 : i32 to index
        %get3A_987 = arith.index_cast %add3A_962 : i32 to index
        %get3A_988 = arith.constant 32 : index
        %get3A_989 = tpu.vector_load %arg11[%get3A_986, %get3A_987, %get3A_988] {strides = array<i32>} : memref<2x80x64xi32, #tpu.memory_space<vmem>>, vector<16xi32>,
        %bitcast3A_990 = vector.bitcast %get3A_989 : vector<16xi32> to vector<32xbf16>
        %get3A_991 = arith.index_cast %rem3A_62 : i32 to index
        %get3A_992 = arith.index_cast %add3A_962 : i32 to index
        %get3A_993 = arith.constant 32 : index
        %get3A_994 = tpu.vector_load %arg12[%get3A_991, %get3A_992, %get3A_993] {strides = array<i32>} : memref<2x80x64xi32, #tpu.memory_space<vmem>>, vector<16xi32>,
        %bitcast3A_995 = vector.bitcast %get3A_994 : vector<16xi32> to vector<32xbf16>
        %mul3A_996 = arith.mulf %bitcast3A_990, %bitcast3A_995 : vector<32xbf16>
        %add3A_997 = arith.addf %add3A_985, %mul3A_996 : vector<32xbf16>
        %get3A_998 = arith.index_cast %rem3A_62 : i32 to index
        %get3A_999 = arith.index_cast %add3A_962 : i32 to index
        %get3A_1000 = arith.constant 48 : index
        %get3A_1001 = tpu.vector_load %arg11[%get3A_998, %get3A_999, %get3A_1000] {strides = array<i32>} : memref<2x80x64xi32, #tpu.memory_space<vmem>>, vector<16xi32>,
        %bitcast3A_1002 = vector.bitcast %get3A_1001 : vector<16xi32> to vector<32xbf16>
        %get3A_1003 = arith.index_cast %rem3A_62 : i32 to index
        %get3A_1004 = arith.index_cast %add3A_962 : i32 to index
        %get3A_1005 = arith.constant 48 : index
        %get3A_1006 = tpu.vector_load %arg12[%get3A_1003, %get3A_1004, %get3A_1005] {strides = array<i32>} : memref<2x80x64xi32, #tpu.memory_space<vmem>>, vector<16xi32>,
        %bitcast3A_1007 = vector.bitcast %get3A_1006 : vector<16xi32> to vector<32xbf16>
        %mul3A_1008 = arith.mulf %bitcast3A_1002, %bitcast3A_1007 : vector<32xbf16>
        %add3A_1009 = arith.addf %add3A_997, %mul3A_1008 : vector<32xbf16>
        %unpack3A_1010 = tpu.unpack_subelements %add3A_1009, 0 {pack_format = #tpu.pack_format<interleaved>} : vector<32xbf16> -> vector<16xf32>
        %unpack3A_1011 = tpu.unpack_subelements %add3A_1009, 1 {pack_format = #tpu.pack_format<interleaved>} : vector<32xbf16> -> vector<16xf32>
        %add3A_1012 = arith.addf %unpack3A_1010, %unpack3A_1011 : vector<16xf32>
        %reduce_sum3A_1013 = arith.constant true
        %reduce_sum3A_1014 = vector.broadcast %reduce_sum3A_1013 : i1 to vector<16xi1>
        %reduce_sum3A_1015 = tpu.scan <sum>, %add3A_1012 masked %reduce_sum3A_1014 : vector<16xf32>, vector<16xi1> -> vector<16xf32>
        %reduce_sum3A_1016 = vector.extract %reduce_sum3A_1015[15] : f32 from vector<16xf32>
        %eq3A_1017 = arith.constant 14 : i32
        %eq3A_1018 = vector.broadcast %eq3A_1017 : i32 to vector<16xi32>
        %eq3A_1019 = arith.cmpi eq, %iota3A, %eq3A_1018 : vector<16xi32>
        %broadcast_in_dim3A_1020 = vector.broadcast %reduce_sum3A_1016 : f32 to vector<16xf32>
        %select_n3A_1021 = arith.select %eq3A_1019, %broadcast_in_dim3A_1020, %select_n3A_960 : vector<16xi1>, vector<16xf32>
        %add3A_1022 = arith.constant 15 : i32
        %add3A_1023 = arith.addi %mul3A_111, %add3A_1022 : i32
        %get3A_1024 = arith.index_cast %rem3A_62 : i32 to index
        %get3A_1025 = arith.index_cast %add3A_1023 : i32 to index
        %get3A_1026 = arith.constant 0 : index
        %get3A_1027 = tpu.vector_load %arg11[%get3A_1024, %get3A_1025, %get3A_1026] {strides = array<i32>} : memref<2x80x64xi32, #tpu.memory_space<vmem>>, vector<16xi32>,
        %bitcast3A_1028 = vector.bitcast %get3A_1027 : vector<16xi32> to vector<32xbf16>
        %get3A_1029 = arith.index_cast %rem3A_62 : i32 to index
        %get3A_1030 = arith.index_cast %add3A_1023 : i32 to index
        %get3A_1031 = arith.constant 0 : index
        %get3A_1032 = tpu.vector_load %arg12[%get3A_1029, %get3A_1030, %get3A_1031] {strides = array<i32>} : memref<2x80x64xi32, #tpu.memory_space<vmem>>, vector<16xi32>,
        %bitcast3A_1033 = vector.bitcast %get3A_1032 : vector<16xi32> to vector<32xbf16>
        %mul3A_1034 = arith.mulf %bitcast3A_1028, %bitcast3A_1033 : vector<32xbf16>
        %get3A_1035 = arith.index_cast %rem3A_62 : i32 to index
        %get3A_1036 = arith.index_cast %add3A_1023 : i32 to index
        %get3A_1037 = arith.constant 16 : index
        %get3A_1038 = tpu.vector_load %arg11[%get3A_1035, %get3A_1036, %get3A_1037] {strides = array<i32>} : memref<2x80x64xi32, #tpu.memory_space<vmem>>, vector<16xi32>,
        %bitcast3A_1039 = vector.bitcast %get3A_1038 : vector<16xi32> to vector<32xbf16>
        %get3A_1040 = arith.index_cast %rem3A_62 : i32 to index
        %get3A_1041 = arith.index_cast %add3A_1023 : i32 to index
        %get3A_1042 = arith.constant 16 : index
        %get3A_1043 = tpu.vector_load %arg12[%get3A_1040, %get3A_1041, %get3A_1042] {strides = array<i32>} : memref<2x80x64xi32, #tpu.memory_space<vmem>>, vector<16xi32>,
        %bitcast3A_1044 = vector.bitcast %get3A_1043 : vector<16xi32> to vector<32xbf16>
        %mul3A_1045 = arith.mulf %bitcast3A_1039, %bitcast3A_1044 : vector<32xbf16>
        %add3A_1046 = arith.addf %mul3A_1034, %mul3A_1045 : vector<32xbf16>
        %get3A_1047 = arith.index_cast %rem3A_62 : i32 to index
        %get3A_1048 = arith.index_cast %add3A_1023 : i32 to index
        %get3A_1049 = arith.constant 32 : index
        %get3A_1050 = tpu.vector_load %arg11[%get3A_1047, %get3A_1048, %get3A_1049] {strides = array<i32>} : memref<2x80x64xi32, #tpu.memory_space<vmem>>, vector<16xi32>,
        %bitcast3A_1051 = vector.bitcast %get3A_1050 : vector<16xi32> to vector<32xbf16>
        %get3A_1052 = arith.index_cast %rem3A_62 : i32 to index
        %get3A_1053 = arith.index_cast %add3A_1023 : i32 to index
        %get3A_1054 = arith.constant 32 : index
        %get3A_1055 = tpu.vector_load %arg12[%get3A_1052, %get3A_1053, %get3A_1054] {strides = array<i32>} : memref<2x80x64xi32, #tpu.memory_space<vmem>>, vector<16xi32>,
        %bitcast3A_1056 = vector.bitcast %get3A_1055 : vector<16xi32> to vector<32xbf16>
        %mul3A_1057 = arith.mulf %bitcast3A_1051, %bitcast3A_1056 : vector<32xbf16>
        %add3A_1058 = arith.addf %add3A_1046, %mul3A_1057 : vector<32xbf16>
        %get3A_1059 = arith.index_cast %rem3A_62 : i32 to index
        %get3A_1060 = arith.index_cast %add3A_1023 : i32 to index
        %get3A_1061 = arith.constant 48 : index
        %get3A_1062 = tpu.vector_load %arg11[%get3A_1059, %get3A_1060, %get3A_1061] {strides = array<i32>} : memref<2x80x64xi32, #tpu.memory_space<vmem>>, vector<16xi32>,
        %bitcast3A_1063 = vector.bitcast %get3A_1062 : vector<16xi32> to vector<32xbf16>
        %get3A_1064 = arith.index_cast %rem3A_62 : i32 to index
        %get3A_1065 = arith.index_cast %add3A_1023 : i32 to index
        %get3A_1066 = arith.constant 48 : index
        %get3A_1067 = tpu.vector_load %arg12[%get3A_1064, %get3A_1065, %get3A_1066] {strides = array<i32>} : memref<2x80x64xi32, #tpu.memory_space<vmem>>, vector<16xi32>,
        %bitcast3A_1068 = vector.bitcast %get3A_1067 : vector<16xi32> to vector<32xbf16>
        %mul3A_1069 = arith.mulf %bitcast3A_1063, %bitcast3A_1068 : vector<32xbf16>
        %add3A_1070 = arith.addf %add3A_1058, %mul3A_1069 : vector<32xbf16>
        %unpack3A_1071 = tpu.unpack_subelements %add3A_1070, 0 {pack_format = #tpu.pack_format<interleaved>} : vector<32xbf16> -> vector<16xf32>
        %unpack3A_1072 = tpu.unpack_subelements %add3A_1070, 1 {pack_format = #tpu.pack_format<interleaved>} : vector<32xbf16> -> vector<16xf32>
        %add3A_1073 = arith.addf %unpack3A_1071, %unpack3A_1072 : vector<16xf32>
        %reduce_sum3A_1074 = arith.constant true
        %reduce_sum3A_1075 = vector.broadcast %reduce_sum3A_1074 : i1 to vector<16xi1>
        %reduce_sum3A_1076 = tpu.scan <sum>, %add3A_1073 masked %reduce_sum3A_1075 : vector<16xf32>, vector<16xi1> -> vector<16xf32>
        %reduce_sum3A_1077 = vector.extract %reduce_sum3A_1076[15] : f32 from vector<16xf32>
        %eq3A_1078 = arith.constant 15 : i32
        %eq3A_1079 = vector.broadcast %eq3A_1078 : i32 to vector<16xi32>
        %eq3A_1080 = arith.cmpi eq, %iota3A, %eq3A_1079 : vector<16xi32>
        %broadcast_in_dim3A_1081 = vector.broadcast %reduce_sum3A_1077 : f32 to vector<16xf32>
        %select_n3A_1082 = arith.select %eq3A_1080, %broadcast_in_dim3A_1081, %select_n3A_1021 : vector<16xi1>, vector<16xf32>
        %swap3A = arith.index_cast %rem3A_62 : i32 to index
        %swap3A_1083 = arith.index_cast %mul3A_111 : i32 to index
        %swap3A_1084 = tpu.vector_load %arg13[%swap3A, %swap3A_1083] {strides = array<i32>} : memref<2x80xf32, #tpu.memory_space<vmem>>, vector<16xf32>,
        tpu.vector_store %arg13[%swap3A, %swap3A_1083], %select_n3A_1082 {strides = array<i32>} : memref<2x80xf32, #tpu.memory_space<vmem>>, vector<16xf32>,
      }
      %scan3A_97 = arith.constant 5 : i32
      %add3A_98 = arith.addi %mul3A_2, %mul3A_64 : i32
      %dma_start3A_99 = arith.constant 0 : i32
      %dma_start3A_100 = tpu.memref_slice %arg13[%rem3A_62, %dma_start3A_99] : memref<2x80xf32, #tpu.memory_space<vmem>> -> memref<1x80xf32, #tpu.memory_space<vmem>>
      %dma_start3A_101 = tpu.memref_squeeze %dma_start3A_100 : memref<1x80xf32, #tpu.memory_space<vmem>> -> memref<80xf32, #tpu.memory_space<vmem>>
      %dma_start3A_102 = tpu.memref_slice %arg6[%add3A_98] : memref<320000xf32, #tpu.memory_space<hbm>> -> memref<80xf32, #tpu.memory_space<hbm>>
      %dma_start3A_103 = tpu.memref_slice %arg16[%rem3A_62] : memref<2x!tpu.dma_semaphore, #tpu.memory_space<semaphore_mem>> -> memref<1x!tpu.dma_semaphore, #tpu.memory_space<semaphore_mem>>
      %dma_start3A_104 = tpu.memref_squeeze %dma_start3A_103 : memref<1x!tpu.dma_semaphore, #tpu.memory_space<semaphore_mem>> -> memref<!tpu.dma_semaphore, #tpu.memory_space<semaphore_mem>>
      %dma_start3A_105 = tpu.memref_slice %arg6[%add3A_98] : memref<320000xf32, #tpu.memory_space<hbm>> -> memref<80xf32, #tpu.memory_space<hbm>>
      %dma_start3A_106 = arith.constant 0 : i32
      %dma_start3A_107 = tpu.memref_slice %arg13[%rem3A_62, %dma_start3A_106] : memref<2x80xf32, #tpu.memory_space<vmem>> -> memref<1x80xf32, #tpu.memory_space<vmem>>
      %dma_start3A_108 = tpu.memref_squeeze %dma_start3A_107 : memref<1x80xf32, #tpu.memory_space<vmem>> -> memref<80xf32, #tpu.memory_space<vmem>>
      tpu.enqueue_dma source(%dma_start3A_108 : memref<80xf32, #tpu.memory_space<vmem>>) target(%dma_start3A_105 : memref<80xf32, #tpu.memory_space<hbm>>) target_semaphore(%dma_start3A_104 : memref<!tpu.dma_semaphore, #tpu.memory_space<semaphore_mem>>)
    }
    %scan3A_33 = arith.constant 125 : i32
    %add3A_34 = arith.constant 9840 : i32
    %add3A_35 = arith.addi %mul3A_2, %add3A_34 : i32
    %dma_wait3A = arith.constant 1 : i32
    %dma_wait3A_36 = arith.constant 1 : i32
    %dma_wait3A_37 = arith.constant 0 : i32
    %dma_wait3A_38 = tpu.memref_slice %arg13[%dma_wait3A, %dma_wait3A_37] : memref<2x80xf32, #tpu.memory_space<vmem>> -> memref<1x80xf32, #tpu.memory_space<vmem>>
    %dma_wait3A_39 = tpu.memref_squeeze %dma_wait3A_38 : memref<1x80xf32, #tpu.memory_space<vmem>> -> memref<80xf32, #tpu.memory_space<vmem>>
    %dma_wait3A_40 = tpu.memref_slice %arg6[%add3A_35] : memref<320000xf32, #tpu.memory_space<hbm>> -> memref<80xf32, #tpu.memory_space<hbm>>
    %dma_wait3A_41 = tpu.memref_slice %arg16[%dma_wait3A_36] : memref<2x!tpu.dma_semaphore, #tpu.memory_space<semaphore_mem>> -> memref<1x!tpu.dma_semaphore, #tpu.memory_space<semaphore_mem>>
    %dma_wait3A_42 = tpu.memref_squeeze %dma_wait3A_41 : memref<1x!tpu.dma_semaphore, #tpu.memory_space<semaphore_mem>> -> memref<!tpu.dma_semaphore, #tpu.memory_space<semaphore_mem>>
    %dma_wait3A_43 = tpu.memref_slice %arg6[%add3A_35] : memref<320000xf32, #tpu.memory_space<hbm>> -> memref<80xf32, #tpu.memory_space<hbm>>
    %dma_wait3A_44 = arith.constant 0 : i32
    %dma_wait3A_45 = tpu.memref_slice %arg13[%dma_wait3A, %dma_wait3A_44] : memref<2x80xf32, #tpu.memory_space<vmem>> -> memref<1x80xf32, #tpu.memory_space<vmem>>
    %dma_wait3A_46 = tpu.memref_squeeze %dma_wait3A_45 : memref<1x80xf32, #tpu.memory_space<vmem>> -> memref<80xf32, #tpu.memory_space<vmem>>
    tpu.wait_dma2 semaphore(%dma_wait3A_42 : memref<!tpu.dma_semaphore, #tpu.memory_space<semaphore_mem>>) src(%dma_wait3A_46 : memref<80xf32, #tpu.memory_space<vmem>>) dst(%dma_wait3A_43 : memref<80xf32, #tpu.memory_space<hbm>>)
    %add3A_47 = arith.constant 9920 : i32
    %add3A_48 = arith.addi %mul3A_2, %add3A_47 : i32
    %dma_wait3A_49 = arith.constant 0 : i32
    %dma_wait3A_50 = arith.constant 0 : i32
    %dma_wait3A_51 = arith.constant 0 : i32
    %dma_wait3A_52 = tpu.memref_slice %arg13[%dma_wait3A_49, %dma_wait3A_51] : memref<2x80xf32, #tpu.memory_space<vmem>> -> memref<1x80xf32, #tpu.memory_space<vmem>>
    %dma_wait3A_53 = tpu.memref_squeeze %dma_wait3A_52 : memref<1x80xf32, #tpu.memory_space<vmem>> -> memref<80xf32, #tpu.memory_space<vmem>>
    %dma_wait3A_54 = tpu.memref_slice %arg6[%add3A_48] : memref<320000xf32, #tpu.memory_space<hbm>> -> memref<80xf32, #tpu.memory_space<hbm>>
    %dma_wait3A_55 = tpu.memref_slice %arg16[%dma_wait3A_50] : memref<2x!tpu.dma_semaphore, #tpu.memory_space<semaphore_mem>> -> memref<1x!tpu.dma_semaphore, #tpu.memory_space<semaphore_mem>>
    %dma_wait3A_56 = tpu.memref_squeeze %dma_wait3A_55 : memref<1x!tpu.dma_semaphore, #tpu.memory_space<semaphore_mem>> -> memref<!tpu.dma_semaphore, #tpu.memory_space<semaphore_mem>>
    %dma_wait3A_57 = tpu.memref_slice %arg6[%add3A_48] : memref<320000xf32, #tpu.memory_space<hbm>> -> memref<80xf32, #tpu.memory_space<hbm>>
    %dma_wait3A_58 = arith.constant 0 : i32
    %dma_wait3A_59 = tpu.memref_slice %arg13[%dma_wait3A_49, %dma_wait3A_58] : memref<2x80xf32, #tpu.memory_space<vmem>> -> memref<1x80xf32, #tpu.memory_space<vmem>>
    %dma_wait3A_60 = tpu.memref_squeeze %dma_wait3A_59 : memref<1x80xf32, #tpu.memory_space<vmem>> -> memref<80xf32, #tpu.memory_space<vmem>>
    tpu.wait_dma2 semaphore(%dma_wait3A_56 : memref<!tpu.dma_semaphore, #tpu.memory_space<semaphore_mem>>) src(%dma_wait3A_60 : memref<80xf32, #tpu.memory_space<vmem>>) dst(%dma_wait3A_57 : memref<80xf32, #tpu.memory_space<hbm>>)
    return
  }
}

</mosaic_0001>

<sc_bundles>
// kernel: _link_predict.3.cloned.1.call-start
scs
__scs_entry_jumppad:
0x0: {  	(pc) =	sbr.rel $0x88, $3  }
0x1: {  	(tag) =	ssettag $0x0;
	lr =	simm.s32 $0x1  }
0x2: {  	[smem:$0x3F9D] =	sst lr;
	_ =	strace $0xD0000000  }
0x3: {  	_ = 	snop  }
0x4: {  	_ = 	snop  }
0x5: {  	_ = 	snop  }
0x6: {  	_ = 	snop  }
0x7: {  	_ = 	snop  }
__scs_overlays_trampoline_lowered:
0x8: {  	[smem:$0x3FAC] =	sst s0  }
0x9: {  	[smem:$0x3FAD] =	sst s1  }
0xa: {  	[smem:$0x3FAE] =	sst s2  }
0xb: {  	[smem:$0x3FAF] =	sst s3  }
0xc: {  	[smem:$0x3FB0] =	sst s4  }
0xd: {  	[smem:$0x3FB1] =	sst s5  }
0xe: {  	[smem:$0x3FB2] =	sst s6  }
0xf: {  	[smem:$0x3FB3] =	sst s7  }
0x10: {  	[smem:$0x3FB4] =	sst s8  }
0x11: {  	[smem:$0x3FB5] =	sst s9;
	s0 =	simm.s32 @!p0 $0x0  }
0x12: {  	s1 =	sld [smem:$0x3F9B];
	s0 =	simm.s32 @p0 $0x1  }
0x13: {  	[smem:$0x3FB6] =	sst s0;
	s0 =	simm.s32 @!p1 $0x0  }
0x14: {  	s2 =	sld [smem:$0x3F9A];
	s0 =	simm.s32 @p1 $0x1  }
0x15: {  	[smem:$0x3FB7] =	sst s0;
	s0 =	simm.s32 @!p2 $0x0  }
0x16: {  	s3 =	sld [smem:$0x3FDB];
	s0 =	simm.s32 @p2 $0x1  }
0x17: {  	s4 =	simm.s32 $0x1BF5;
	[smem:$0x3FB9] =	sst s0  }
0x18: {  	s0 =	sld [smem:$0x3F9C];
	_ =	swait.ge [sflag:s4], $0x0  }
0x19: {  	s7 =	sld [smem:$0x3F9D]  }
0x1a: {  	s8 =	sadd.s32 $0xFFFFE003, lr  }
0x1b: {  	s9 =	sadd.s32 $0xFFFFFEF7, lr;
	s5 =	simm.s32 $0xFFFFFFFF;
	p2 =	slt.u32 s8, $0xFFFFF086  }
0x1c: {  	p1 =	slt.u32 s9, $0xF7A;
	s5 =	simm.s32 @!p2 $0x0  }
0x1d: {  	s5 =	simm.s32 @p1 $0x1;
	p0 =	seq.s32 s7, s2  }
0x1e: {  	s7 =	smul.u32 @!p0 $0xF7A, s2;
	p2 =	seq.s32 @!p0 s5, $0x0  }
0x1f: {  	s9 =	smul.u32 $0xF7A, s1;
	s8 =	simm.s32 @!p0 $0x1BF5;
	p2 =	por !p2, p0  }
0x20: {  	[sflag:s8] =	ssyncset.s32 @!p0 $0xFFFFF086;
	s6 =	sadd.s32 @!p0 s3, s7;
	s7 =	simm.s32 @!p0 $0x108  }
0x21: {  	s3 =	sadd.s32 s3, s9;
	s6 =	sadd.s32 @!p0 $0x88, s6;
	s7 =	simm.s32 @p2 $0x1082  }
0x22: {  	[simem:s7], [sflag:s8] =	dma.local @!p0 [hbm:s6], $0xF7A  }
0x23: {  	s9 =	sor.u32 $0xD0000000, s2;
	s6 =	simm.s32 $0x108;
	_ =	swait.ge @!p0 [sflag:s8], $0x0  }
0x24: {  	s3 =	sadd.s32 $0x88, s3;
	s6 =	simm.s32 @!p1 $0x1082;
	[sflag:s4] =	ssyncset.s32 $0xFFFFF086  }
0x25: {  	[simem:s6], [sflag:s4] =	dma.local [hbm:s3], $0xF7A  }
0x26: {  	[smem:$0x3F9D] =	sst s1;
	(tag) =	ssettag s2;
	_ =	strace s9  }
0x27: {  	s1 =	sld [smem:$0x3FAD]  }
0x28: {  	s2 =	sld [smem:$0x3FAE]  }
0x29: {  	s4 =	sld [smem:$0x3FB0]  }
0x2a: {  	p0 =	seq.s32 s5, $0x0;
	s5 =	sld [smem:$0x3FB1]  }
0x2b: {  	s6 =	sld [smem:$0x3FB2]  }
0x2c: {  	s7 =	sld [smem:$0x3FB3]  }
0x2d: {  	s3 =	simm.s32 $0x108;
	s8 =	sld [smem:$0x3FB4]  }
0x2e: {  	s3 =	simm.s32 @!p0 $0x1082;
	s9 =	sld [smem:$0x3FB5]  }
0x2f: {  	lr =	sadd.s32 s0, s3;
	s0 =	sld [smem:$0x3FAC]  }
0x30: {  	s3 =	sld [smem:$0x3FAF]  }
0x31: {  	[smem:$0x3FB8] =	sst s10  }
0x32: {  	s10 =	sld [smem:$0x3FB6];
	_ =	sdelay $0x3  }
0x33: {  	p0 =	seq.s32 s10, $0x1;
	s10 =	sld [smem:$0x3FB8];
	_ =	sdelay $0x3  }
0x34: {  	[smem:$0x3FB8] =	sst s10  }
0x35: {  	s10 =	sld [smem:$0x3FB7];
	_ =	sdelay $0x3  }
0x36: {  	p1 =	seq.s32 s10, $0x1;
	s10 =	sld [smem:$0x3FB8];
	_ =	sdelay $0x3  }
0x37: {  	[smem:$0x3FB8] =	sst s10  }
0x38: {  	s10 =	sld [smem:$0x3FB9]  }
0x39: {  	_ = 	snop;
	(pc) =	sbr.ind lr, $3  }
0x3a: {  	_ = 	snop  }
0x3b: {  	_ = 	snop  }
0x3c: {  	p2 =	seq.s32 s10, $0x1;
	s10 =	sld [smem:$0x3FB8]  }
0x3d: {  	_ =	shalt  }
0x3e: {  	_ =	shalt  }
0x3f: {  	_ =	shalt  }
0x40: {  	_ =	shalt  }
0x41: {  	_ =	shalt  }
0x42: {  	_ =	shalt  }
0x43: {  	_ =	shalt  }
0x44: {  	_ =	shalt  }
0x45: {  	_ =	shalt  }
0x46: {  	_ =	shalt  }
0x47: {  	_ =	shalt  }
0x48: {  	_ =	shalt  }
0x49: {  	_ =	shalt  }
0x4a: {  	_ =	shalt  }
0x4b: {  	_ =	shalt  }
0x4c: {  	_ =	shalt  }
0x4d: {  	_ =	shalt  }
0x4e: {  	_ =	shalt  }
0x4f: {  	_ =	shalt  }
0x50: {  	_ =	shalt  }
0x51: {  	_ =	shalt  }
0x52: {  	_ =	shalt  }
0x53: {  	_ =	shalt  }
0x54: {  	_ =	shalt  }
0x55: {  	_ =	shalt  }
0x56: {  	_ =	shalt  }
0x57: {  	_ =	shalt  }
0x58: {  	_ =	shalt  }
0x59: {  	_ =	shalt  }
0x5a: {  	_ =	shalt  }
0x5b: {  	_ =	shalt  }
0x5c: {  	_ =	shalt  }
0x5d: {  	_ =	shalt  }
0x5e: {  	_ =	shalt  }
0x5f: {  	_ =	shalt  }
0x60: {  	_ =	shalt  }
0x61: {  	_ =	shalt  }
0x62: {  	_ =	shalt  }
0x63: {  	_ =	shalt  }
0x64: {  	_ =	shalt  }
0x65: {  	_ =	shalt  }
0x66: {  	_ =	shalt  }
0x67: {  	_ =	shalt  }
0x68: {  	_ =	shalt  }
0x69: {  	_ =	shalt  }
0x6a: {  	_ =	shalt  }
0x6b: {  	_ =	shalt  }
0x6c: {  	_ =	shalt  }
0x6d: {  	_ =	shalt  }
0x6e: {  	_ =	shalt  }
0x6f: {  	_ =	shalt  }
0x70: {  	_ =	shalt  }
0x71: {  	_ =	shalt  }
0x72: {  	_ =	shalt  }
0x73: {  	_ =	shalt  }
0x74: {  	_ =	shalt  }
0x75: {  	_ =	shalt  }
0x76: {  	_ =	shalt  }
0x77: {  	_ =	shalt  }
0x78: {  	_ =	shalt  }
0x79: {  	_ =	shalt  }
0x7a: {  	_ =	shalt  }
0x7b: {  	_ =	shalt  }
0x7c: {  	_ =	shalt  }
0x7d: {  	_ =	shalt  }
0x7e: {  	_ =	shalt  }
0x7f: {  	_ =	shalt  }
0x80: {  	_ =	shalt  }
0x81: {  	_ =	shalt  }
0x82: {  	_ =	shalt  }
0x83: {  	_ =	shalt  }
0x84: {  	_ =	shalt  }
0x85: {  	_ =	shalt  }
0x86: {  	_ =	shalt  }
0x87: {  	_ =	shalt  }
.Lfunc_end0:
.L_simem_size_0:
called_computation_lowered:
.L_overlay_start_0:
0x88: {  	s2 =	sld [smem:$0x3FD9]  }
0x89: {  	s3 =	sld [smem:$0x3FFE];
	_ =	sdelay $0x1  }
0x8a: {  	s1 =	srdreg.scid  }
0x8b: {  	s0 =	sand.u32 $0x1, s1  }
0x8c: {  	s17 =	sshll.u32 s0, $0xA;
	s2 =	sadd.s32 s3, s2  }
0x8d: {  	s2 =	sadd.s32 s2, s17  }
0x8e: {  	[smem:$0x3FC4] =	sst s2  }
0x8f: {  	_ = 	snop  }
0x90: {  	s2 =	sld [smem:$0x3FC7]  }
0x91: {  	s18 =	sld [smem:$0x3FC6]  }
0x92: {  	s4 =	sld [smem:$0x3FD0];
	(tm) =	ssettm $0x1  }
0x93: {  	s5 =	sld [smem:$0x3FFB];
	_ =	sdelay $0x3  }
0x94: {  	_ =	strace s5  }
0x95: {  	s5 =	sld [smem:$0x3FFC];
	_ =	sdelay $0x3  }
0x96: {  	_ =	strace s5  }
0x97: {  	s5 =	sld [smem:$0x3FFD];
	_ =	sdelay $0x3  }
0x98: {  	_ =	strace s5  }
0x99: {  	_ =	strace $0x8FFFFFFF  }
0x9a: {  	s19 =	sld [smem:$0x3FDB];
	_ =	sdelay $0x1  }
0x9b: {  	s6 =	simm.s32 $_scs_section_size  }
0x9c: {  	s7 =	simm.s32 $_size__tile_overlayer_lowered;
	s8 =	simm.s32 $_tile_overlayer_lowered  }
0x9d: {  	s22 =	simm.s32 $0x1BFF;
	s21 =	sshll.u32 s8, $0x1;
	s5 =	sadd.s32 s6, s19  }
0x9e: {  	s9 =	simm.s32 $0x0;
	s20 =	sshll.u32 s7, $0x1;
	s7 =	sadd.s32 s21, s5  }
0x9f: {  	[timem:s9], [sflag:s22] =	dma.local [hbm:s7], s20  }
0xa0: {  	_ =	swait.ge [sflag:s22], s20  }
0xa1: {  	s6 =	ssub.s32 $0x0, s20;
	[sflag:s22] =	ssyncset.done $0x0  }
0xa2: {  	[sflag:s22] =	ssyncadd.s32 s6;
	_ =	sdelay $0x1  }
0xa3: {  	s23 =	simm.s32 $0x1B8B  }
0xa4: {  	_ =	swait.ge [sflag:s23], $0x1  }
0xa5: {  	[sflag:s23] =	ssyncset.done $0x0  }
0xa6: {  	s25 =	simm.s32 $0x1B8E;
	s24 =	sld [smem:$0x3FFE];
	[sflag:s23] =	ssyncadd.s32 $0xFFFFFFFF  }
0xa7: {  	s26 =	simm.s32 $execute0_lowered;
	[smem:$0x3FD2] =	sst s25  }
0xa8: {  	s7 =	sshll.u32 s26, $0x1;
	_ =	strace $0x80000046;
	[dreg:$0x1] =	wrdreg $0xFFFFFFFF  }
0xa9: {  	s28 =	simm.s32 $_size_execute0_lowered;
	s5 =	sadd.s32 s5, s7;
	[dreg:$0x0] =	wrdreg $0x0  }
0xaa: {  	s7 =	sshll.u32 s28, $0x1;
	[dreg:$0x2] =	wrdreg s5  }
0xab: {  	[dreg:$0x3] =	wrdreg s7  }
0xac: {  	[dreg:$0x4] =	wrdreg $0xC0  }
0xad: {  	_ =	task [dreg:s9], $0x5FFFF  }
0xae: {  	[dreg:$0x1] =	wrdreg $0xFFFFFFFF  }
0xaf: {  	[dreg:$0x0] =	wrdreg $0x60  }
0xb0: {  	[dreg:$0x2] =	wrdreg s24  }
0xb1: {  	[dreg:$0x3] =	wrdreg s2  }
0xb2: {  	[dreg:$0x4] =	wrdreg s18  }
0xb3: {  	[dreg:$0x5] =	wrdreg s4  }
0xb4: {  	[dreg:$0x6] =	wrdreg $0x0  }
0xb5: {  	[dreg:$0x7] =	wrdreg $0x9C400  }
0xb6: {  	[dreg:$0x8] =	wrdreg $0x9  }
0xb7: {  	_ =	task.clear_ibuf [dreg:s9], $0x9FFFF;
	_ =	strace $0x90000046  }
0xb8: {  	s29 =	simm.s32 $0x9;
	_ =	strace $0x80000048  }
0xb9: {  	_ =	swait.ge [sflag:s29], $0x1  }
0xba: {  	[sflag:s29] =	ssyncadd.s32 $0xFFFFFFFF  }
0xbb: {  	_ =	strace $0x90000048  }
0xbc: {  	_ =	sfence  }
0xbd: {  	s30 =	sld [smem:$0x0];
	_ =	sdelay $0x2  }
0xbe: {  	s31 =	sshll.u32 s1, $0xD;
	s1 =	sshrl.u32 s1, $0x2  }
0xbf: {  	s3 =	sand.u32 $0x4000, s31;
	s1 =	sadd.s32 s1, s30  }
0xc0: {  	s0 =	sor.u32 s3, s0;
	s1 =	sshll.u32 s1, $0x11  }
0xc1: {  	s0 =	sor.u32 s1, s0  }
0xc2: {  	s0 =	sadd.s32 $0x8F2B, s0  }
0xc3: {  	[sflag:s0] =	ssyncadd.remote.s32 $0x1  }
0xc4: {  	_ =	sfence.sel $0xFFFF  }
0xc5: {  	[dreg:$0x0] =	wrdreg $0xFFFFFFFF;
	(pc) =	sbr.abs _section_cstart, $3  }
0xc6: {  	[dreg:$0x1] =	wrdreg $0xFFFFFFFF  }
0xc7: {  	_ =	task.clear_ibuf [dreg:s9], $0x2FFFF;
	_ =	strace $0x9FFFFFFF  }
0xc8: {  	(tm) =	ssettm $0x7FFFFFFF  }
0xc9: {  	_ =	shalt  }
tec
execute0_lowered:
.L_overlay_start_1:
0x0: {  	(tag) =	ssettag $0x1  }
0x1: {  	s6 =	rddreg [dreg:$0x0]  }
0x2: {  	s10 =	rddreg [dreg:$0x1]  }
0x3: {  	s11 =	rddreg [dreg:$0x2]  }
0x4: {  	s1 =	rddreg [dreg:$0x3]  }
0x5: {  	s3 =	rddreg [dreg:$0x4]  }
0x6: {  	s4 =	rddreg [dreg:$0x5];
	s5 =	simm.s32 $0x0  }
0x7: {  	s0 =	stileid.u32;
	s7 =	srdreg.scid;
	s17 =	simm.s32 $0x15F90  }
0x8: {  	s18 =	simm.s32 $0x50;
	s21 =	simm.s32 $0x6;
	s22 =	simm.s32 $0x5  }
0x9: {  	s23 =	simm.s32 $0x0;
	[smem:$0x7FF] =	sst s5;
	s9 =	smul.u32 $0x9C40, s0  }
0xa: {  	s7 =	sand.u32 $0x1, s7;
	s12 =	sshll.u32 s0, $0x1;
	s31 =	sshll.u32 s0, $0x6  }
0xb: {  	_ =	strace $0x80000047;
	s8 =	ssub.s32 $0x2, s7;
	s7 =	sor.u32 s7, s12  }
0xc: {  	s13 =	sshrl.u32 s9, $0x3;
	s14 =	sshrl.u32 s8, $0x1;
	s30 =	sadd.s32 s9, s3  }
0xd: {  	vm0 =	vmmov $0x1;
	vm1 =	vmmov $0x3;
	vm2 =	vmmov $0x7;
	s15 =	sadd.s32 s9, s4;
	s28 =	sadd.s32 s13, s6;
	s29 =	ssub.s32 s8, s14  }
0xe: {  	vm3 =	vmmov $0xf;
	vm4 =	vmmov $0x1f;
	vm5 =	vmmov $0x3f;
	s6 =	smul.u32 $0x2710, s7;
	s8 =	sor.u32 $0x1C07, s31;
	s13 =	sshrl.u32 s30, $0x3  }
0xf: {  	vm6 =	vmmov $0x7f;
	vm7 =	vmmov $0xff;
	vm8 =	vmmov $0x1ff;
	s14 =	simm.s32 $0x7;
	s15 =	sshrl.u32 s15, $0x3;
	s7 =	sadd.s32 $0x600, s28  }
0x10: {  	vm9 =	vmmov $0x3ff;
	vm10 =	vmmov $0x7ff;
	vm11 =	vmmov $0xfff;
	s9 =	sadd.s32 $0x14000, s28;
	s12 =	smax.u32 s29, $0x1;
	s16 =	sshrl.u32 s6, $0x3  }
0x11: {  	vm12 =	vmmov $0x1fff;
	vm13 =	vmmov $0x3fff;
	vm14 =	vmmov $0x7fff;
	s10 =	sadd.s32 s10, s16;
	s11 =	sadd.s32 s11, s16;
	s16 =	simm.s32 $0x13880  }
.LBB2_1:
0x12: {  	[spmem:s13], [sflag:s8] =	dma.local [hbm:s7], $0x1388  }
0x13: {  	_ =	swait.ge [sflag:s14], $0x1388  }
0x14: {  	[sflag:s14] =	ssyncset.done $0x0  }
0x15: {  	[sflag:s14] =	ssyncadd.s32 $0xFFFFEC78  }
0x16: {  	[spmem:s15], [sflag:s8] =	dma.local [hbm:s9], $0x1388  }
0x17: {  	_ =	swait.ge [sflag:s14], $0x1388  }
0x18: {  	[sflag:s14] =	ssyncset.done $0x0  }
0x19: {  	[sflag:s14] =	ssyncadd.s32 $0xFFFFEC78  }
0x1a: {  	[tilespmem:s16], [sflag:$0x7] =	stream.linear.gather [hbm4b:s10+s5], $0x2710, $0x38;
	[tilespmem:$0x1D740] =	vst v63  }
0x1b: {  	_ =	swait.ge [sflag:s14], $0x2710  }
0x1c: {  	[sflag:s14] =	ssyncset.done $0x0  }
0x1d: {  	[sflag:s14] =	ssyncadd.s32 $0xFFFFD8F0  }
0x1e: {  	[tilespmem:s17], [sflag:$0x7] =	stream.linear.gather [hbm4b:s11+s5], $0x2710, $0x38;
	[tilespmem:$0x1D740] =	vst v63  }
0x1f: {  	_ =	swait.ge [sflag:s14], $0x2710  }
0x20: {  	[sflag:s14] =	ssyncset.done $0x0  }
0x21: {  	[sflag:s14] =	ssyncadd.s32 $0xFFFFD8F0  }
0x22: {  	s0 =	simm.s32 $0x186A0;
	[bflag:$0x0] =	sbarrier.arrive $0xFFFF  }
0x23: {  	[tilespmem:s0], [sflag:$0x1] =	stream.indirect.gather [spmem:s3], $0x40, s16, s18, $0xb8;
	[tilespmem:$0x1D740] =	vst v63  }
0x24: {  	s31 =	simm.s32 $0x1AEA0;
	p0 =	por $0x0, $0x0;
	s24 =	simm.s32 $0x0  }
0x25: {  	[tilespmem:s31], [sflag:$0x3] =	stream.indirect.gather [spmem:s4], $0x40, s17, s18, $0xb8;
	[tilespmem:$0x1D740] =	vst v63  }
.LBB2_2:
0x26: {  	s29 =	smov.u32 s24  }
0x27: {  	s24 =	sadd.s32 $0x1, s24;
	p1 =	seq.s32 s29, $0x7C  }
0x28: {  	s28 =	sand.u32 @!p1 $0x1, s24;
	s31 =	smul.u32 @!p1 $0x50, s24  }
0x29: {  	s30 =	smul.u32 @!p1 $0x1400, s28  }
0x2a: {  	s26 =	simm.s32 $0x1;
	s25 =	sand.u32 $0x1, s29;
	s20 =	simm.s32 @!p1 $0x50  }
0x2b: {  	s19 =	sadd.s32 @!p1 $0x1, s28;
	s2 =	sadd.s32 @!p1 $0x13880, s31;
	s0 =	sadd.s32 @!p1 $0x186A0, s30  }
0x2c: {  	[tilespmem:s0], [sflag:s19] =	stream.indirect.gather @!p1 [spmem:s3], $0x40, s2, s20, $0xb8;
	[tilespmem:$0x1D740] =	vst v63  }
0x2d: {  	s0 =	sadd.s32 @!p1 $0x1AEA0, s30;
	s2 =	sadd.s32 @!p1 $0x15F90, s31;
	s19 =	sadd.s32 @!p1 $0x3, s28  }
0x2e: {  	[tilespmem:s0], [sflag:s19] =	stream.indirect.gather @!p1 [spmem:s4], $0x40, s2, s20, $0xb8;
	[tilespmem:$0x1D740] =	vst v63  }
0x2f: {  	s26 =	simm.s32 @!p0 $0x0;
	s20 =	sadd.s32 $0x1, s25  }
0x30: {  	s19 =	smul.u32 $0x5000, s26;
	_ =	swait.ge [sflag:s20], $0x1400  }
0x31: {  	[sflag:s20] =	ssyncset.done $0x0  }
0x32: {  	s0 =	sadd.s32 $0x3, s25;
	s2 =	sshrl.u32 s19, $0x2;
	[sflag:s20] =	ssyncadd.s32 $0xFFFFEC00  }
0x33: {  	s20 =	sadd.s32 $0x1B0A0, s2;
	_ =	swait.ge [sflag:s0], $0x1400  }
0x34: {  	p1 =	slt.u32 s29, $0x2;
	v1 =	vmov s20;
	[sflag:s0] =	ssyncset.done $0x0  }
0x35: {  	s2 =	sadd.s32 $0x188A0, s2;
	[sflag:s0] =	ssyncadd.s32 $0xFFFFEC00;
	s0 =	sadd.s32 @!p1 $0x5, s25  }
0x36: {  	v0 =	vmov s2;
	_ =	swait.ge @!p1 [sflag:s0], $0x50  }
0x37: {  	[sflag:s0] =	ssyncset.done @!p1 $0x0  }
0x38: {  	s28 =	simm.s32 $0x0;
	[sflag:s0] =	ssyncadd.s32 @!p1 $0xFFFFFFB0  }
0x39: {  	v2 =	vld.idx.msk [tilespmem:v1+s28+$0x1E0 ss:$0x1], $0xffff  }
0x3a: {  	v15 =	vld.idx.msk [tilespmem:v1+s28+$0x1B0 ss:$0x1], $0xffff  }
0x3b: {  	v18 =	vld.idx.msk [tilespmem:v0+s28+$0x1B0 ss:$0x1], $0xffff  }
0x3c: {  	v52 =	vld.idx.msk [tilespmem:v1+s28+$0x1D0 ss:$0x1], $0xffff  }
0x3d: {  	v21 =	vld.idx.msk [tilespmem:v0+s28+$0x1D0 ss:$0x1], $0xffff  }
0x3e: {  	v19 =	vld.idx.msk [tilespmem:v1+s28+$0x1A0 ss:$0x1], $0xffff  }
0x3f: {  	v22 =	vld.idx.msk [tilespmem:v0+s28+$0x1A0 ss:$0x1], $0xffff  }
0x40: {  	v23 =	vld.idx.msk [tilespmem:v1+s28+$0x130 ss:$0x1], $0xffff  }
0x41: {  	v24 =	vld.idx.msk [tilespmem:v0+s28+$0x130 ss:$0x1], $0xffff  }
0x42: {  	v25 =	vld.idx.msk [tilespmem:v1+s28+$0x190 ss:$0x1], $0xffff  }
0x43: {  	v26 =	vld.idx.msk [tilespmem:v0+s28+$0x190 ss:$0x1], $0xffff  }
0x44: {  	v27 =	vld.idx.msk [tilespmem:v1+s28+$0x180 ss:$0x1], $0xffff  }
0x45: {  	v28 =	vld.idx.msk [tilespmem:v0+s28+$0x180 ss:$0x1], $0xffff  }
0x46: {  	v29 =	vld.idx.msk [tilespmem:v1+s28+$0xF0 ss:$0x1], $0xffff  }
0x47: {  	v30 =	vld.idx.msk [tilespmem:v0+s28+$0xF0 ss:$0x1], $0xffff  }
0x48: {  	v31 =	vld.idx.msk [tilespmem:v1+s28+$0x120 ss:$0x1], $0xffff  }
0x49: {  	v32 =	vld.idx.msk [tilespmem:v0+s28+$0x120 ss:$0x1], $0xffff  }
0x4a: {  	v33 =	vld.idx.msk [tilespmem:v1+s28+$0x150 ss:$0x1], $0xffff  }
0x4b: {  	v34 =	vld.idx.msk [tilespmem:v0+s28+$0x150 ss:$0x1], $0xffff  }
0x4c: {  	v35 =	vld.idx.msk [tilespmem:v1+s28+$0xE0 ss:$0x1], $0xffff  }
0x4d: {  	v36 =	vld.idx.msk [tilespmem:v0+s28+$0xE0 ss:$0x1], $0xffff  }
0x4e: {  	v37 =	vld.idx.msk [tilespmem:v1+s28+$0x110 ss:$0x1], $0xffff  }
0x4f: {  	v38 =	vld.idx.msk [tilespmem:v0+s28+$0x110 ss:$0x1], $0xffff  }
0x50: {  	v39 =	vld.idx.msk [tilespmem:v1+s28+$0x100 ss:$0x1], $0xffff  }
0x51: {  	v40 =	vld.idx.msk [tilespmem:v0+s28+$0x100 ss:$0x1], $0xffff  }
0x52: {  	v41 =	vld.idx.msk [tilespmem:v1+s28+$0x70 ss:$0x1], $0xffff  }
0x53: {  	v42 =	vld.idx.msk [tilespmem:v0+s28+$0x70 ss:$0x1], $0xffff  }
0x54: {  	v43 =	vld.idx.msk [tilespmem:v1+s28+$0xD0 ss:$0x1], $0xffff  }
0x55: {  	v44 =	vld.idx.msk [tilespmem:v0+s28+$0xD0 ss:$0x1], $0xffff  }
0x56: {  	v45 =	vld.idx.msk [tilespmem:v1+s28+$0xC0 ss:$0x1], $0xffff  }
0x57: {  	v46 =	vld.idx.msk [tilespmem:v0+s28+$0xC0 ss:$0x1], $0xffff  }
0x58: {  	v47 =	vld.idx.msk [tilespmem:v1+s28+$0x30 ss:$0x1], $0xffff  }
0x59: {  	v48 =	vld.idx.msk [tilespmem:v0+s28+$0x30 ss:$0x1], $0xffff  }
0x5a: {  	v49 =	vld.idx.msk [tilespmem:v1+s28+$0x60 ss:$0x1], $0xffff  }
0x5b: {  	v50 =	vld.idx.msk [tilespmem:v0+s28+$0x60 ss:$0x1], $0xffff  }
0x5c: {  	v53 =	vld.idx.msk [tilespmem:v1+s28+$0x20 ss:$0x1], $0xffff  }
0x5d: {  	v54 =	vld.idx.msk [tilespmem:v0+s28+$0x20 ss:$0x1], $0xffff  }
0x5e: {  	v55 =	vld.idx.msk [tilespmem:v1+s28+$0x50 ss:$0x1], $0xffff  }
0x5f: {  	v56 =	vld.idx.msk [tilespmem:v0+s28+$0x50 ss:$0x1], $0xffff  }
0x60: {  	v57 =	vld.idx.msk [tilespmem:v1+s28+$0x40 ss:$0x1], $0xffff  }
0x61: {  	v58 =	vld.idx.msk [tilespmem:v0+s28+$0x40 ss:$0x1], $0xffff  }
0x62: {  	v59 =	vld.idx.msk [tilespmem:v1+s28+$0xFFFFFFB0 ss:$0x1], $0xffff  }
0x63: {  	[tilespmem:$0x1FE80] =	vst v2;
	v2 =	vld.idx.msk [tilespmem:v0+s28+$0x1E0 ss:$0x1], $0xffff  }
0x64: {  	v60 =	vld.idx.msk [tilespmem:v0+s28+$0xFFFFFFB0 ss:$0x1], $0xffff  }
0x65: {  	v61 =	vld.idx.msk [tilespmem:v1+s28+$0x10 ss:$0x1], $0xffff  }
0x66: {  	v62 =	vld.idx.msk [tilespmem:v0+s28+$0x10 ss:$0x1], $0xffff  }
0x67: {  	v63 =	vld.idx.msk [tilespmem:v1+s28+$0x0 ss:$0x1], $0xffff  }
0x68: {  	[tilespmem:$0x1FE90] =	vst v2;
	v2 =	vld.idx.msk [tilespmem:v1+s28+$0x1C0 ss:$0x1], $0xffff  }
0x69: {  	v17 =	vld.idx.msk [tilespmem:v1+s28+$0xFFFFFF70 ss:$0x1], $0xffff  }
0x6a: {  	v16 =	vld.idx.msk [tilespmem:v0+s28+$0xFFFFFF70 ss:$0x1], $0xffff  }
0x6b: {  	v12 =	vld.idx.msk [tilespmem:v1+s28+$0xFFFFFFA0 ss:$0x1], $0xffff  }
0x6c: {  	v11 =	vld.idx.msk [tilespmem:v0+s28+$0xFFFFFFA0 ss:$0x1], $0xffff  }
0x6d: {  	[tilespmem:$0x1FE70] =	vst v2;
	v2 =	vld.idx.msk [tilespmem:v1+s28+$0x160 ss:$0x1], $0xffff  }
0x6e: {  	v3 =	vld.idx.msk [tilespmem:v1+s28+$0xFFFFFFD0 ss:$0x1], $0xffff  }
0x6f: {  	v14 =	vld.idx.msk [tilespmem:v1+s28+$0xFFFFFF60 ss:$0x1], $0xffff  }
0x70: {  	v13 =	vld.idx.msk [tilespmem:v0+s28+$0xFFFFFF60 ss:$0x1], $0xffff  }
0x71: {  	v8 =	vld.idx.msk [tilespmem:v1+s28+$0xFFFFFF90 ss:$0x1], $0xffff  }
0x72: {  	[tilespmem:$0x1FE50] =	vst v2;
	v2 =	vld.idx.msk [tilespmem:v0+s28+$0x160 ss:$0x1], $0xffff  }
0x73: {  	v7 =	vld.idx.msk [tilespmem:v0+s28+$0xFFFFFF90 ss:$0x1], $0xffff  }
0x74: {  	v4 =	vld.idx.msk [tilespmem:v1+s28+$0xFFFFFF80 ss:$0x1], $0xffff  }
0x75: {  	v5 =	vld.idx.msk [tilespmem:v1+s28+$0xFFFFFEF0 ss:$0x1], $0xffff  }
0x76: {  	v20 =	vld.idx.msk [tilespmem:v0+s28+$0xFFFFFEF0 ss:$0x1], $0xffff  }
0x77: {  	[tilespmem:$0x1FE60] =	vst v2;
	v2 =	vld.idx.msk [tilespmem:v1+s28+$0x140 ss:$0x1], $0xffff  }
0x78: {  	v10 =	vld.idx.msk [tilespmem:v1+s28+$0xFFFFFF50 ss:$0x1], $0xffff  }
0x79: {  	v9 =	vld.idx.msk [tilespmem:v0+s28+$0xFFFFFF50 ss:$0x1], $0xffff  }
0x7a: {  	v6 =	vld.idx.msk [tilespmem:v1+s28+$0xFFFFFF40 ss:$0x1], $0xffff  }
0x7b: {  	v51 =	vld.idx.msk [tilespmem:v1+s28+$0xFFFFFEB0 ss:$0x1], $0xffff  }
0x7c: {  	[tilespmem:$0x1FE40] =	vst v2;
	v2 =	vld.idx.msk [tilespmem:v1+s28+$0xA0 ss:$0x1], $0xffff  }
0x7d: {  	[tilespmem:$0x1FD70] =	vst v3;
	v3 =	vld.idx.msk [tilespmem:v0+s28+$0xFFFFFFD0 ss:$0x1], $0xffff  }
0x7e: {  	[tilespmem:$0x1FD90] =	vst v5;
	v5 =	vld.idx.msk [tilespmem:v1+s28+$0xFFFFFF20 ss:$0x1], $0xffff  }
0x7f: {  	v25 =	vmul.bf16 v25, v26;
	v26 =	vld.idx.msk [tilespmem:v0+s28+$0xFFFFFEB0 ss:$0x1], $0xffff  }
0x80: {  	v37 =	vmul.bf16 v37, v38;
	v38 =	vld.idx.msk [tilespmem:v1+s28+$0xFFFFFEE0 ss:$0x1], $0xffff  }
0x81: {  	[tilespmem:$0x1FE20] =	vst v2;
	v2 =	vld.idx.msk [tilespmem:v0+s28+$0xA0 ss:$0x1], $0xffff  }
0x82: {  	v19 =	vmul.bf16 v19, v22;
	v22 =	vld.idx.msk [tilespmem:v0+s28+$0xFFFFFEE0 ss:$0x1], $0xffff  }
0x83: {  	v23 =	vmul.bf16 v23, v24;
	v24 =	vmul.bf16 v35, v36;
	v35 =	vld.idx.msk [tilespmem:v1+s28+$0xFFFFFE30 ss:$0x1], $0xffff  }
0x84: {  	[tilespmem:$0x1FDA0] =	vst v51;
	v27 =	vmul.bf16 v27, v28;
	v51 =	vld.idx.msk [tilespmem:v0+s28+$0xFFFFFEA0 ss:$0x1], $0xffff  }
0x85: {  	v28 =	vmul.bf16 v39, v40;
	v11 =	vmul.bf16 v12, v11;
	v12 =	vld.idx.msk [tilespmem:v1+s28+$0xFFFFFE90 ss:$0x1], $0xffff  }
0x86: {  	[tilespmem:$0x1FE30] =	vst v2;
	v2 =	vld.idx.msk [tilespmem:v1+s28+$0x90 ss:$0x1], $0xffff  }
0x87: {  	v15 =	vmul.bf16 v15, v18;
	v18 =	vadd.bf16 v37, v28;
	v28 =	vld.idx.msk [tilespmem:v1+s28+$0xFFFFFF10 ss:$0x1], $0xffff  }
0x88: {  	v25 =	vadd.bf16 v25, v27;
	v27 =	vmul.bf16 v31, v32;
	v31 =	vmul.bf16 v45, v46;
	v37 =	vld.idx.msk [tilespmem:v0+s28+$0xFFFFFF10 ss:$0x1], $0xffff  }
0x89: {  	v46 =	vmul.bf16 v55, v56;
	v55 =	vmul.bf16 v61, v62;
	v62 =	vld.idx.msk [tilespmem:v1+s28+$0xFFFFFE20 ss:$0x1], $0xffff  }
0x8a: {  	v61 =	vmul.bf16 v47, v48;
	v47 =	vld.idx.msk [tilespmem:v1+s28+$0xFFFFFE00 ss:$0x1], $0xffff  }
0x8b: {  	v45 =	vmul.bf16 v43, v44;
	[tilespmem:$0x1FD50] =	vst v2;
	v2 =	vld.idx.msk [tilespmem:v0+s28+$0x90 ss:$0x1], $0xffff  }
0x8c: {  	v25 =	vadd.bf16 v19, v25;
	v19 =	vld.idx.msk [tilespmem:v1+s28+$0xFFFFFF00 ss:$0x1], $0xffff  }
0x8d: {  	v18 =	vadd.bf16 v27, v18;
	v27 =	vadd.bf16 v45, v31;
	v31 =	vmul.bf16 v57, v58;
	v57 =	vld.idx.msk [tilespmem:v1+s28+$0xFFFFFEC0 ss:$0x1], $0xffff  }
0x8e: {  	v45 =	vld.idx.msk [tilespmem:v1+s28+$0xFFFFFE10 ss:$0x1], $0xffff  }
0x8f: {  	v58 =	vmul.bf16 v53, v54;
	v53 =	vld.idx.msk [tilespmem:v1+s28+$0xFFFFFFF0 ss:$0x1], $0xffff;
	[tilespmem:$0x1FD80] =	vst v3  }
0x90: {  	[tilespmem:$0x1FD60] =	vst v2;
	v2 =	vld.idx.msk [tilespmem:v1+s28+$0x80 ss:$0x1], $0xffff  }
0x91: {  	v3 =	vld.idx.msk [tilespmem:v1+s28+$0xFFFFFFC0 ss:$0x1], $0xffff;
	[tilespmem:$0x1FDB0] =	vst v5  }
0x92: {  	v5 =	vld.idx.msk [tilespmem:v0+s28+$0xFFFFFF20 ss:$0x1], $0xffff;
	v15 =	vadd.bf16 v15, v25;
	v25 =	vmul.bf16 v29, v30;
	v24 =	vadd.bf16 v24, v27  }
0x93: {  	v18 =	vadd.bf16 v23, v18;
	v23 =	vld.idx.msk [tilespmem:v0+s28+$0xFFFFFE30 ss:$0x1], $0xffff  }
0x94: {  	v27 =	vadd.bf16 v46, v31;
	v24 =	vadd.bf16 v25, v24;
	v25 =	vld.idx.msk [tilespmem:v1+s28+$0xFFFFFED0 ss:$0x1], $0xffff  }
0x95: {  	v30 =	vmul.bf16 v49, v50;
	v31 =	vunpack.i.u.bf16.f32 v15;
	v50 =	vunpack.i.l.bf16.f32 v15;
	[tilespmem:$0x1FE10] =	vst v2;
	v2 =	vld.idx.msk [tilespmem:v1+s28+$0xFFFFFFE0 ss:$0x1], $0xffff  }
0x96: {  	v15 =	vmul.bf16 v52, v21;
	v21 =	vadd.f32 v50, v31;
	v31 =	vld.idx.msk [tilespmem:v0+s28+$0xFFFFFED0 ss:$0x1], $0xffff  }
0x97: {  	v27 =	vadd.bf16 v30, v27;
	v30 =	vmul.bf16 v41, v42;
	[tilespmem:$0x1FDD0] =	vst v3;
	v3 =	vld.idx.msk [tilespmem:v0+s28+$0xFFFFFFC0 ss:$0x1], $0xffff  }
0x98: {  	[tilespmem:$0x1FDC0] =	vst v5;
	v5 =	vld.idx.msk [tilespmem:v0+s28+$0xFFFFFF40 ss:$0x1], $0xffff  }
0x99: {  	v27 =	vadd.bf16 v30, v27;
	v30 =	vld.idx.msk [tilespmem:v0+s28+$0xFFFFFEC0 ss:$0x1], $0xffff  }
0x9a: {  	[tilespmem:$0x1FDF0] =	vst v2;
	v2 =	vld.idx.msk [tilespmem:v0+s28+$0xFFFFFFE0 ss:$0x1], $0xffff  }
0x9b: {  	v29 =	vld.idx.msk [tilespmem:v1+s28+$0xFFFFFEA0 ss:$0x1], $0xffff  }
0x9c: {  	[tilespmem:$0x1FDE0] =	vst v3;
	v3 =	vld.idx.msk [tilespmem:v0+s28+$0xFFFFFF80 ss:$0x1], $0xffff  }
0x9d: {  	v46 =	vmul.bf16 v17, v16;
	v5 =	vmul.bf16 v6, v5;
	v6 =	vld.idx.msk [tilespmem:v0+s28+$0xFFFFFE90 ss:$0x1], $0xffff  }
0x9e: {  	v49 =	vld.idx.msk [tilespmem:v1+s28+$0xFFFFFE40 ss:$0x1], $0xffff;
	v17 =	vmul.bf16 v25, v31;
	v16 =	vmul.bf16 v57, v30  }
0x9f: {  	v7 =	vmul.bf16 v8, v7;
	v56 =	vunpack.i.u.bf16.f32 v18;
	[tilespmem:$0x1FE00] =	vst v2;
	v2 =	vld.idx.msk [tilespmem:v0+s28+$0x0 ss:$0x1], $0xffff  }
0xa0: {  	v54 =	vld [tilespmem:$0x1FDB0];
	v18 =	vunpack.i.l.bf16.f32 v18;
	v16 =	vadd.bf16 v17, v16;
	v17 =	vmul.bf16 v38, v22  }
0xa1: {  	v42 =	vld.idx.msk [tilespmem:v1+s28+$0xFFFFFE60 ss:$0x1], $0xffff;
	v39 =	vadd.f32 v18, v56;
	v3 =	vmul.bf16 v4, v3;
	v4 =	vunpack.i.u.bf16.f32 v24  }
0xa2: {  	v56 =	vld.idx.msk [tilespmem:v1+s28+$0xB0 ss:$0x1], $0xffff;
	(xrf2) =	vadd.scan.msk.f32 $0xffff, v21;
	v24 =	vunpack.i.l.bf16.f32 v24;
	v6 =	vmul.bf16 v12, v6;
	v12 =	vadd.bf16 v17, v16  }
0xa3: {  	(xrf2) =	vadd.scan.msk.f32 $0xffff, v39;
	v16 =	vld [tilespmem:$0x1FDA0];
	v4 =	vadd.f32 v24, v4;
	v24 =	vunpack.i.u.bf16.f32 v27;
	v27 =	vunpack.i.l.bf16.f32 v27  }
0xa4: {  	v3 =	vadd.bf16 v7, v3;
	v7 =	vld.idx.msk [tilespmem:v1+s28+$0xFFFFFE80 ss:$0x1], $0xffff;
	v24 =	vadd.f32 v27, v24;
	v2 =	vmul.bf16 v63, v2  }
0xa5: {  	v27 =	vld.idx.msk [tilespmem:v0+s28+$0xFFFFFE80 ss:$0x1], $0xffff;
	(xrf2) =	vadd.scan.msk.f32 $0xffff, v4  }
0xa6: {  	(xrf2) =	vadd.scan.msk.f32 $0xffff, v24;
	v24 =	vld [tilespmem:$0x1FD90];
	v2 =	vadd.bf16 v55, v2  }
0xa7: {  	v25 =	vld [tilespmem:$0x1FD70]  }
0xa8: {  	v22 =	vld.idx.msk [tilespmem:v0+s28+$0xFFFFFE50 ss:$0x1], $0xffff;
	v2 =	vadd.bf16 v58, v2  }
0xa9: {  	v9 =	vmul.bf16 v10, v9;
	v43 =	vmul.bf16 v59, v60;
	v4 =	vld.idx.msk [tilespmem:v1+s28+$0xFFFFFE50 ss:$0x1], $0xffff;
	v3 =	vadd.bf16 v11, v3  }
0xaa: {  	v16 =	vmul.bf16 v16, v26;
	v26 =	vld.idx.msk [tilespmem:v0+s28+$0xFFFFFE60 ss:$0x1], $0xffff;
	v7 =	vmul.bf16 v7, v27;
	v2 =	vadd.bf16 v61, v2  }
0xab: {  	v44 =	vmul.bf16 v14, v13;
	v3 =	vadd.bf16 v43, v3;
	v20 =	vmul.bf16 v24, v20;
	v14 =	vld [tilespmem:$0x1FD50]  }
0xac: {  	v6 =	vadd.bf16 v6, v7;
	v21 =	vld [tilespmem:$0x1FD60];
	v13 =	vunpack.i.u.bf16.f32 v2;
	v2 =	vunpack.i.l.bf16.f32 v2  }
0xad: {  	v7 =	vmul.bf16 v29, v51;
	v51 =	vld.idx.msk [tilespmem:v1+s28+$0xFFFFFF30 ss:$0x1], $0xffff;
	v12 =	vadd.bf16 v20, v12;
	v2 =	vadd.f32 v2, v13  }
0xae: {  	v5 =	vadd.bf16 v9, v5;
	v48 =	vunpack.i.u.bf16.f32 v3;
	v3 =	vunpack.i.l.bf16.f32 v3;
	v13 =	vld.idx.msk [tilespmem:v0+s28+$0xFFFFFE00 ss:$0x1], $0xffff  }
0xaf: {  	v6 =	vadd.bf16 v7, v6;
	v7 =	vunpack.i.u.bf16.f32 v12;
	v12 =	vunpack.i.l.bf16.f32 v12;
	(xrf2) =	vadd.scan.msk.f32 $0xffff, v2;
	v2 =	vld.idx.msk [tilespmem:v0+s28+$0xFFFFFE40 ss:$0x1], $0xffff  }
0xb0: {  	v3 =	vadd.f32 v3, v48;
	v7 =	vadd.f32 v12, v7;
	v12 =	vld.idx.msk [tilespmem:v0+s28+$0xFFFFFF30 ss:$0x1], $0xffff  }
0xb1: {  	v14 =	vmul.bf16 v14, v21;
	v21 =	vld.idx.msk [tilespmem:v0+s28+$0xFFFFFE10 ss:$0x1], $0xffff  }
0xb2: {  	v5 =	vadd.bf16 v44, v5;
	(xrf2) =	vadd.scan.msk.f32 $0xffff, v3;
	v3 =	vld.idx.msk [tilespmem:v1+s28+$0xFFFFFE70 ss:$0x1], $0xffff  }
0xb3: {  	v10 =	vmul.bf16 v47, v13;
	v13 =	vld.idx.msk [tilespmem:v0+s28+$0xFFFFFE70 ss:$0x1], $0xffff  }
0xb4: {  	v5 =	vadd.bf16 v46, v5;
	v4 =	vmul.bf16 v4, v22;
	v63 =	vld.idx.msk [tilespmem:v0+s28+$0xFFFFFE20 ss:$0x1], $0xffff;
	v2 =	vmul.bf16 v49, v2  }
0xb5: {  	v30 =	vld [tilespmem:$0x1FD80]  }
0xb6: {  	v24 =	vunpack.i.u.bf16.f32 v5;
	v8 =	vmul.bf16 v42, v26;
	v20 =	vld.idx.msk [tilespmem:v0+s28+$0xFFFFFF00 ss:$0x1], $0xffff;
	v2 =	vadd.bf16 v4, v2  }
0xb7: {  	v5 =	vunpack.i.l.bf16.f32 v5;
	v57 =	vmul.bf16 v51, v12;
	v11 =	vmul.bf16 v45, v21;
	v12 =	vld [tilespmem:$0x1FE00]  }
0xb8: {  	v5 =	vadd.f32 v5, v24;
	v55 =	vld [tilespmem:$0x1FDE0];
	v3 =	vmul.bf16 v3, v13;
	v2 =	vadd.bf16 v8, v2  }
0xb9: {  	v6 =	vadd.bf16 v16, v6;
	v50 =	vmul.bf16 v62, v63;
	v10 =	vadd.bf16 v11, v10;
	v13 =	vld [tilespmem:$0x1FDC0]  }
0xba: {  	v18 =	vmul.bf16 v33, v34;
	v52 =	vmul.bf16 v35, v23;
	v2 =	vadd.bf16 v3, v2;
	v3 =	vld [tilespmem:$0x1FDD0]  }
0xbb: {  	v58 =	vld [tilespmem:$0x1FDF0];
	(xrf2) =	vadd.scan.msk.f32 $0xffff, v5;
	v5 =	vunpack.i.l.bf16.f32 v6;
	v10 =	vadd.bf16 v50, v10;
	v4 =	vunpack.i.u.bf16.f32 v6  }
0xbc: {  	v34 =	vld [tilespmem:$0x1FE80];
	v17 =	vmul.bf16 v28, v37;
	v4 =	vadd.f32 v5, v4;
	v5 =	vmul.bf16 v19, v20  }
0xbd: {  	v32 =	vld [tilespmem:$0x1FE50];
	v10 =	vadd.bf16 v52, v10  }
0xbe: {  	v25 =	vmul.bf16 v25, v30;
	v5 =	vadd.bf16 v17, v5;
	v8 =	vmul.bf16 v54, v13;
	v13 =	vld.idx.msk [tilespmem:v0+s28+$0xFFFFFFF0 ss:$0x1], $0xffff  }
0xbf: {  	v59 =	vld [tilespmem:$0x1FE20];
	(xrf2) =	vadd.scan.msk.f32 $0xffff, v7;
	v7 =	vunpack.i.u.bf16.f32 v10;
	v10 =	vunpack.i.l.bf16.f32 v10;
	v3 =	vmul.bf16 v3, v55  }
0xc0: {  	v16 =	vld.idx.msk [tilespmem:v0+s28+$0x140 ss:$0x1], $0xffff;
	v9 =	vmul.bf16 v58, v12;
	(xrf2) =	vadd.scan.msk.f32 $0xffff, v4;
	v7 =	vadd.f32 v10, v7;
	v4 =	vunpack.i.u.bf16.f32 v2  }
0xc1: {  	v12 =	vld.idx.msk [tilespmem:v0+s28+$0xB0 ss:$0x1], $0xffff;
	v2 =	vunpack.i.l.bf16.f32 v2;
	v5 =	vadd.bf16 v8, v5;
	v3 =	vadd.bf16 v25, v3  }
0xc2: {  	v6 =	vld.idx.msk [tilespmem:v0+s28+$0x80 ss:$0x1], $0xffff;
	v2 =	vadd.f32 v2, v4  }
0xc3: {  	(xrf2) =	vadd.scan.msk.f32 $0xffff, v7;
	v4 =	vadd.bf16 v57, v5;
	v5 =	vld [tilespmem:$0x1FE10];
	v7 =	vmul.bf16 v53, v13;
	v3 =	vadd.bf16 v9, v3  }
0xc4: {  	v60 =	vld [tilespmem:$0x1FE30]  }
0xc5: {  	v3 =	vadd.bf16 v7, v3;
	v7 =	vld [tilespmem:$0x1FE40]  }
0xc6: {  	v63 =	vmul.bf16 v56, v12;
	v12 =	vld [tilespmem:$0x1FE60]  }
0xc7: {  	v33 =	vld [tilespmem:$0x1FE70]  }
0xc8: {  	v62 =	vld.idx.msk [tilespmem:v0+s28+$0x170 ss:$0x1], $0xffff;
	v5 =	vmul.bf16 v5, v6  }
0xc9: {  	v61, _, _ =	vpop (xrf2);
	v17 =	vld.idx.msk [tilespmem:v0+s28+$0x1C0 ss:$0x1], $0xffff;
	v8 =	vmul.bf16 v59, v60;
	(xrf2) =	vadd.scan.msk.f32 $0xffff, v2;
	v13 =	vunpack.i.u.bf16.f32 v4;
	v4 =	vunpack.i.l.bf16.f32 v4  }
0xca: {  	v4 =	vadd.f32 v4, v13;
	v6 =	vld.idx.msk [tilespmem:v1+s28+$0x170 ss:$0x1], $0xffff;
	v5 =	vadd.bf16 v14, v5;
	v7 =	vmul.bf16 v7, v16  }
0xcb: {  	v35 =	vld [tilespmem:$0x1FE90];
	v10 =	vmul.bf16 v32, v12;
	v2, _, _ =	vpop (xrf2);
	v19 =	vunpack.i.u.bf16.f32 v3  }
0xcc: {  	v13, _, _ =	vpop (xrf2);
	v14 =	vld.idx.msk [tilespmem:v1+s28+$0x1F0 ss:$0x1], $0xffff;
	v3 =	vunpack.i.l.bf16.f32 v3;
	v5 =	vadd.bf16 v8, v5;
	v7 =	vadd.bf16 v18, v7  }
0xcd: {  	(xrf2) =	vadd.scan.msk.f32 $0xffff, v4;
	v12, _, _ =	vpop (xrf2);
	v3 =	vadd.f32 v3, v19;
	v16 =	vld.idx.msk [tilespmem:v0+s28+$0x1F0 ss:$0x1], $0xffff  }
0xce: {  	v4, _, _ =	vpop (xrf2);
	v8 =	vmul.bf16 v33, v17;
	v5 =	vadd.bf16 v63, v5;
	v7 =	vadd.bf16 v10, v7  }
0xcf: {  	v17, _, _ =	vpop (xrf2);
	v6 =	vmul.bf16 v6, v62  }
0xd0: {  	v36, _, _ =	vpop (xrf2);
	(xrf2) =	vadd.scan.msk.f32 $0xffff, v3;
	v8 =	vadd.bf16 v15, v8;
	v18 =	vunpack.i.u.bf16.f32 v5;
	v5 =	vunpack.i.l.bf16.f32 v5  }
0xd1: {  	v3, _, _ =	vpop (xrf2);
	v10 =	vmul.bf16 v34, v35;
	v5 =	vadd.f32 v5, v18;
	v6 =	vadd.bf16 v6, v7  }
0xd2: {  	v37 =	vmul.bf16 v14, v16;
	v7, _, _ =	vpop (xrf2)  }
0xd3: {  	v8 =	vadd.bf16 v10, v8;
	(xrf2) =	vadd.scan.msk.f32 $0xffff, v5;
	v15 =	vunpack.i.u.bf16.f32 v6;
	v6 =	vunpack.i.l.bf16.f32 v6;
	v14, _, _ =	vpop (xrf2)  }
0xd4: {  	v5 =	vadd.f32 v6, v15;
	v38, _, _ =	vpop (xrf2)  }
0xd5: {  	v6 =	vadd.bf16 v37, v8;
	v39 =	vbroadcast v14, $0xF;
	v8 =	vbroadcast v38, $0xF  }
0xd6: {  	v7 =	vbroadcast v7, $0xF  }
0xd7: {  	v3 =	vbroadcast v3, $0xF;
	v14 =	vunpack.i.u.bf16.f32 v6;
	(xrf2) =	vadd.scan.msk.f32 $0xffff, v5;
	v40, _, _ =	vpop (xrf2);
	v5 =	vsel vm0, v39, v8  }
0xd8: {  	v6 =	vunpack.i.l.bf16.f32 v6;
	v5 =	vsel vm1, v5, v7;
	v7 =	vbroadcast v40, $0xF  }
0xd9: {  	v6 =	vadd.f32 v6, v14;
	v3 =	vsel vm2, v5, v3;
	v5 =	vbroadcast v36, $0xF  }
0xda: {  	v41, _, _ =	vpop (xrf2);
	v3 =	vsel vm3, v3, v7;
	v7 =	vbroadcast v17, $0xF  }
0xdb: {  	v3 =	vsel vm4, v3, v5;
	v5 =	vbroadcast v41, $0xF  }
0xdc: {  	v4 =	vbroadcast v4, $0xF;
	(xrf2) =	vadd.scan.msk.f32 $0xffff, v6;
	v3 =	vsel vm5, v3, v7  }
0xdd: {  	v6, _, _ =	vpop (xrf2);
	v3 =	vsel vm6, v3, v5;
	v5 =	vbroadcast v12, $0xF  }
0xde: {  	v3 =	vsel vm7, v3, v4;
	v4 =	vbroadcast v6, $0xF  }
0xdf: {  	v3 =	vsel vm8, v3, v5;
	v5 =	vbroadcast v13, $0xF  }
0xe0: {  	v2 =	vbroadcast v2, $0xF;
	v3 =	vsel vm9, v3, v4  }
0xe1: {  	v3 =	vsel vm10, v3, v5  }
0xe2: {  	v4, _, _ =	vpop (xrf2);
	v2 =	vsel vm11, v3, v2;
	v3 =	vbroadcast v61, $0xF  }
0xe3: {  	v4 =	vbroadcast v4, $0xF  }
0xe4: {  	s19 =	smul.u32 $0x140, s26  }
0xe5: {  	v2 =	vsel vm12, v2, v4  }
0xe6: {  	s0 =	sshrl.u32 s19, $0x2;
	v2 =	vsel vm13, v2, v3;
	v3, _, _ =	vpop (xrf2)  }
0xe7: {  	s26 =	sadd.s32 $0x1D6A0, s0;
	v2 =	vsel vm14, v2, v3  }
0xe8: {  	s28 =	simm.s32 $0x400;
	[tilespmem:s26+$0x0] =	vst v2  }
0xe9: {  	v19 =	vld.idx.msk [tilespmem:v1+s28+$0x1E0 ss:$0x1], $0xffff  }
0xea: {  	v20 =	vld.idx.msk [tilespmem:v0+s28+$0x1E0 ss:$0x1], $0xffff  }
0xeb: {  	v49 =	vld.idx.msk [tilespmem:v1+s28+$0x1B0 ss:$0x1], $0xffff  }
0xec: {  	v29 =	vld.idx.msk [tilespmem:v0+s28+$0x1B0 ss:$0x1], $0xffff  }
0xed: {  	v16 =	vld.idx.msk [tilespmem:v1+s28+$0x1D0 ss:$0x1], $0xffff  }
0xee: {  	v17 =	vld.idx.msk [tilespmem:v0+s28+$0x1D0 ss:$0x1], $0xffff  }
0xef: {  	v2 =	vld.idx.msk [tilespmem:v1+s28+$0x1C0 ss:$0x1], $0xffff  }
0xf0: {  	v6 =	vld.idx.msk [tilespmem:v1+s28+$0x1A0 ss:$0x1], $0xffff  }
0xf1: {  	v22 =	vld.idx.msk [tilespmem:v0+s28+$0x1A0 ss:$0x1], $0xffff  }
0xf2: {  	v7 =	vld.idx.msk [tilespmem:v0+s28+$0x130 ss:$0x1], $0xffff  }
0xf3: {  	v24 =	vld.idx.msk [tilespmem:v1+s28+$0x190 ss:$0x1], $0xffff  }
0xf4: {  	v25 =	vld.idx.msk [tilespmem:v0+s28+$0x190 ss:$0x1], $0xffff  }
0xf5: {  	v26 =	vld.idx.msk [tilespmem:v1+s28+$0x180 ss:$0x1], $0xffff  }
0xf6: {  	v27 =	vld.idx.msk [tilespmem:v0+s28+$0x180 ss:$0x1], $0xffff  }
0xf7: {  	v30 =	vld.idx.msk [tilespmem:v1+s28+$0xF0 ss:$0x1], $0xffff  }
0xf8: {  	v32 =	vld.idx.msk [tilespmem:v0+s28+$0xF0 ss:$0x1], $0xffff  }
0xf9: {  	v33 =	vld.idx.msk [tilespmem:v1+s28+$0x120 ss:$0x1], $0xffff  }
0xfa: {  	v3 =	vld.idx.msk [tilespmem:v1+s28+$0x140 ss:$0x1], $0xffff  }
0xfb: {  	v10 =	vld.idx.msk [tilespmem:v1+s28+$0x150 ss:$0x1], $0xffff  }
0xfc: {  	v11 =	vld.idx.msk [tilespmem:v0+s28+$0x150 ss:$0x1], $0xffff  }
0xfd: {  	v23 =	vld.idx.msk [tilespmem:v1+s28+$0xE0 ss:$0x1], $0xffff  }
0xfe: {  	v38 =	vld.idx.msk [tilespmem:v0+s28+$0xE0 ss:$0x1], $0xffff  }
0xff: {  	[tilespmem:$0x1FED0] =	vst v3;
	v3 =	vld.idx.msk [tilespmem:v1+s28+$0x70 ss:$0x1], $0xffff  }
0x100: {  	v39 =	vld.idx.msk [tilespmem:v1+s28+$0x110 ss:$0x1], $0xffff  }
0x101: {  	v40 =	vld.idx.msk [tilespmem:v0+s28+$0x110 ss:$0x1], $0xffff  }
0x102: {  	v41 =	vld.idx.msk [tilespmem:v1+s28+$0x100 ss:$0x1], $0xffff  }
0x103: {  	v42 =	vld.idx.msk [tilespmem:v0+s28+$0x100 ss:$0x1], $0xffff  }
0x104: {  	[tilespmem:$0x1FF80] =	vst v3;
	v3 =	vld.idx.msk [tilespmem:v0+s28+$0x70 ss:$0x1], $0xffff  }
0x105: {  	v45 =	vld.idx.msk [tilespmem:v1+s28+$0xD0 ss:$0x1], $0xffff  }
0x106: {  	v46 =	vld.idx.msk [tilespmem:v0+s28+$0xD0 ss:$0x1], $0xffff  }
0x107: {  	v47 =	vld.idx.msk [tilespmem:v1+s28+$0xC0 ss:$0x1], $0xffff  }
0x108: {  	v48 =	vld.idx.msk [tilespmem:v0+s28+$0xC0 ss:$0x1], $0xffff  }
0x109: {  	[tilespmem:$0x1FF90] =	vst v3;
	v3 =	vld.idx.msk [tilespmem:v1+s28+$0xA0 ss:$0x1], $0xffff  }
0x10a: {  	v51 =	vld.idx.msk [tilespmem:v1+s28+$0x60 ss:$0x1], $0xffff  }
0x10b: {  	v52 =	vld.idx.msk [tilespmem:v0+s28+$0x60 ss:$0x1], $0xffff  }
0x10c: {  	v8 =	vld.idx.msk [tilespmem:v1+s28+$0x90 ss:$0x1], $0xffff  }
0x10d: {  	v9 =	vld.idx.msk [tilespmem:v0+s28+$0x90 ss:$0x1], $0xffff  }
0x10e: {  	[tilespmem:$0x1FEE0] =	vst v3;
	v3 =	vld.idx.msk [tilespmem:v0+s28+$0xA0 ss:$0x1], $0xffff  }
0x10f: {  	v53 =	vld.idx.msk [tilespmem:v1+s28+$0x20 ss:$0x1], $0xffff  }
0x110: {  	v54 =	vld.idx.msk [tilespmem:v0+s28+$0x20 ss:$0x1], $0xffff  }
0x111: {  	v55 =	vld.idx.msk [tilespmem:v1+s28+$0x50 ss:$0x1], $0xffff  }
0x112: {  	v56 =	vld.idx.msk [tilespmem:v0+s28+$0x50 ss:$0x1], $0xffff  }
0x113: {  	[tilespmem:$0x1FEF0] =	vst v3;
	v3 =	vld.idx.msk [tilespmem:v1+s28+$0x30 ss:$0x1], $0xffff  }
0x114: {  	v57 =	vld.idx.msk [tilespmem:v1+s28+$0x40 ss:$0x1], $0xffff  }
0x115: {  	v58 =	vld.idx.msk [tilespmem:v0+s28+$0x40 ss:$0x1], $0xffff  }
0x116: {  	v18 =	vld.idx.msk [tilespmem:v1+s28+$0xFFFFFFB0 ss:$0x1], $0xffff  }
0x117: {  	v61 =	vld.idx.msk [tilespmem:v1+s28+$0x10 ss:$0x1], $0xffff  }
0x118: {  	[tilespmem:$0x1FFA0] =	vst v3;
	v3 =	vld.idx.msk [tilespmem:v0+s28+$0x30 ss:$0x1], $0xffff  }
0x119: {  	v62 =	vld.idx.msk [tilespmem:v0+s28+$0x10 ss:$0x1], $0xffff  }
0x11a: {  	v63 =	vld.idx.msk [tilespmem:v1+s28+$0x0 ss:$0x1], $0xffff  }
0x11b: {  	v5 =	vld.idx.msk [tilespmem:v0+s28+$0x0 ss:$0x1], $0xffff  }
0x11c: {  	v60 =	vld.idx.msk [tilespmem:v1+s28+$0xFFFFFFA0 ss:$0x1], $0xffff  }
0x11d: {  	[tilespmem:$0x1FFB0] =	vst v3;
	v3 =	vld.idx.msk [tilespmem:v1+s28+$0x80 ss:$0x1], $0xffff  }
0x11e: {  	v44 =	vld.idx.msk [tilespmem:v0+s28+$0xFFFFFFA0 ss:$0x1], $0xffff  }
0x11f: {  	v14 =	vld.idx.msk [tilespmem:v1+s28+$0xFFFFFFD0 ss:$0x1], $0xffff  }
0x120: {  	v15 =	vld.idx.msk [tilespmem:v0+s28+$0xFFFFFFD0 ss:$0x1], $0xffff  }
0x121: {  	v50 =	vld.idx.msk [tilespmem:v1+s28+$0xFFFFFF60 ss:$0x1], $0xffff  }
0x122: {  	[tilespmem:$0x1FF00] =	vst v3;
	v3 =	vld.idx.msk [tilespmem:v0+s28+$0xFFFFFFB0 ss:$0x1], $0xffff  }
0x123: {  	v43 =	vld.idx.msk [tilespmem:v0+s28+$0xFFFFFF60 ss:$0x1], $0xffff  }
0x124: {  	v37 =	vld.idx.msk [tilespmem:v1+s28+$0xFFFFFF90 ss:$0x1], $0xffff  }
0x125: {  	v36 =	vld.idx.msk [tilespmem:v0+s28+$0xFFFFFF90 ss:$0x1], $0xffff  }
0x126: {  	v31 =	vld.idx.msk [tilespmem:v1+s28+$0xFFFFFF80 ss:$0x1], $0xffff  }
0x127: {  	[tilespmem:$0x1FFC0] =	vst v3;
	v3 =	vld.idx.msk [tilespmem:v1+s28+$0xFFFFFFE0 ss:$0x1], $0xffff  }
0x128: {  	v28 =	vld.idx.msk [tilespmem:v0+s28+$0xFFFFFF80 ss:$0x1], $0xffff  }
0x129: {  	v12 =	vld.idx.msk [tilespmem:v1+s28+$0xFFFFFEF0 ss:$0x1], $0xffff  }
0x12a: {  	[tilespmem:$0x1FEA0] =	vst v2;
	v2 =	vld.idx.msk [tilespmem:v1+s28+$0x130 ss:$0x1], $0xffff  }
0x12b: {  	v13 =	vld.idx.msk [tilespmem:v0+s28+$0xFFFFFEF0 ss:$0x1], $0xffff  }
0x12c: {  	[tilespmem:$0x1FF10] =	vst v3;
	v3 =	vld.idx.msk [tilespmem:v0+s28+$0xFFFFFFE0 ss:$0x1], $0xffff  }
0x12d: {  	v35 =	vld.idx.msk [tilespmem:v1+s28+$0xFFFFFF50 ss:$0x1], $0xffff  }
0x12e: {  	v34 =	vld.idx.msk [tilespmem:v0+s28+$0xFFFFFF50 ss:$0x1], $0xffff  }
0x12f: {  	[tilespmem:$0x1FF70] =	vst v2;
	v2 =	vld.idx.msk [tilespmem:v1+s28+$0x160 ss:$0x1], $0xffff  }
0x130: {  	v4 =	vld.idx.msk [tilespmem:v1+s28+$0xFFFFFF40 ss:$0x1], $0xffff  }
0x131: {  	[tilespmem:$0x1FF20] =	vst v3;
	v3 =	vld.idx.msk [tilespmem:v1+s28+$0xFFFFFF70 ss:$0x1], $0xffff  }
0x132: {  	v21 =	vld.idx.msk [tilespmem:v1+s28+$0xFFFFFEB0 ss:$0x1], $0xffff  }
0x133: {  	v59 =	vld.idx.msk [tilespmem:v1+s28+$0xFFFFFF00 ss:$0x1], $0xffff  }
0x134: {  	[tilespmem:$0x1FEB0] =	vst v2;
	v2 =	vld.idx.msk [tilespmem:v0+s28+$0x160 ss:$0x1], $0xffff  }
0x135: {  	v26 =	vmul.bf16 v26, v27;
	v27 =	vmul.bf16 v24, v25;
	v25 =	vld.idx.msk [tilespmem:v0+s28+$0xFFFFFEB0 ss:$0x1], $0xffff  }
0x136: {  	[tilespmem:$0x1FFD0] =	vst v3;
	v3 =	vld.idx.msk [tilespmem:v0+s28+$0xFFFFFF70 ss:$0x1], $0xffff  }
0x137: {  	v24 =	vld.idx.msk [tilespmem:v1+s28+$0xFFFFFEE0 ss:$0x1], $0xffff  }
0x138: {  	v6 =	vmul.bf16 v6, v22;
	v22 =	vmul.bf16 v41, v42;
	v42 =	vld.idx.msk [tilespmem:v0+s28+$0xFFFFFEE0 ss:$0x1], $0xffff;
	v26 =	vadd.bf16 v27, v26  }
0x139: {  	[tilespmem:$0x1FEC0] =	vst v2;
	v2 =	vld.idx.msk [tilespmem:v0+s28+$0x120 ss:$0x1], $0xffff  }
0x13a: {  	v27 =	vmul.bf16 v39, v40;
	v39 =	vadd.bf16 v6, v26;
	v6 =	vld [tilespmem:$0x1FF70]  }
0x13b: {  	[tilespmem:$0x1FFE0] =	vst v3;
	v3 =	vld.idx.msk [tilespmem:v1+s28+$0xFFFFFFC0 ss:$0x1], $0xffff  }
0x13c: {  	v38 =	vmul.bf16 v23, v38;
	v23 =	vld.idx.msk [tilespmem:v0+s28+$0xFFFFFE30 ss:$0x1], $0xffff  }
0x13d: {  	v29 =	vmul.bf16 v49, v29;
	v32 =	vmul.bf16 v30, v32;
	v30 =	vld.idx.msk [tilespmem:v0+s28+$0xFFFFFEA0 ss:$0x1], $0xffff  }
0x13e: {  	v28 =	vmul.bf16 v31, v28;
	v31 =	vld.idx.msk [tilespmem:v1+s28+$0xFFFFFE60 ss:$0x1], $0xffff;
	v22 =	vadd.bf16 v27, v22;
	v2 =	vmul.bf16 v33, v2  }
0x13f: {  	v37 =	vmul.bf16 v37, v36;
	v36 =	vld.idx.msk [tilespmem:v1+s28+$0xFFFFFE90 ss:$0x1], $0xffff;
	v39 =	vadd.bf16 v29, v39  }
0x140: {  	v29 =	vmul.bf16 v6, v7;
	v2 =	vadd.bf16 v2, v22;
	[tilespmem:$0x1FF30] =	vst v3;
	v3 =	vld.idx.msk [tilespmem:v0+s28+$0xFFFFFFC0 ss:$0x1], $0xffff  }
0x141: {  	v6 =	vld [tilespmem:$0x1FF90]  }
0x142: {  	v40 =	vadd.bf16 v29, v2;
	v2 =	vmul.bf16 v63, v5;
	v5 =	vld [tilespmem:$0x1FF80]  }
0x143: {  	v41 =	vld.idx.msk [tilespmem:v1+s28+$0xFFFFFE10 ss:$0x1], $0xffff  }
0x144: {  	v28 =	vadd.bf16 v37, v28;
	v37 =	vld.idx.msk [tilespmem:v0+s28+$0xFFFFFE90 ss:$0x1], $0xffff  }
0x145: {  	v49 =	vmul.bf16 v47, v48;
	[tilespmem:$0x1FF40] =	vst v3;
	v3 =	vld.idx.msk [tilespmem:v1+s28+$0xFFFFFF20 ss:$0x1], $0xffff  }
0x146: {  	v46 =	vmul.bf16 v45, v46;
	v48 =	vmul.bf16 v55, v56;
	v26 =	vld.idx.msk [tilespmem:v1+s28+$0xFFFFFF10 ss:$0x1], $0xffff  }
0x147: {  	v56 =	vmul.bf16 v61, v62;
	v62 =	vmul.bf16 v5, v6;
	v5 =	vld [tilespmem:$0x1FFA0]  }
0x148: {  	v6 =	vld [tilespmem:$0x1FFB0]  }
0x149: {  	v27 =	vld.idx.msk [tilespmem:v0+s28+$0xFFFFFF10 ss:$0x1], $0xffff;
	v33 =	vadd.bf16 v46, v49  }
0x14a: {  	v47 =	vmul.bf16 v57, v58;
	[tilespmem:$0x1FF50] =	vst v3;
	v3 =	vld.idx.msk [tilespmem:v0+s28+$0xFFFFFF20 ss:$0x1], $0xffff  }
0x14b: {  	[tilespmem:$0x1FFF0] =	vst v42;
	v42 =	vld.idx.msk [tilespmem:v0+s28+$0xFFFFFE10 ss:$0x1], $0xffff;
	v49 =	vunpack.i.u.bf16.f32 v39;
	v39 =	vunpack.i.l.bf16.f32 v39;
	v33 =	vadd.bf16 v38, v33  }
0x14c: {  	v38 =	vadd.f32 v39, v49;
	v39 =	vadd.bf16 v48, v47;
	v47 =	vld.idx.msk [tilespmem:v1+s28+$0xFFFFFED0 ss:$0x1], $0xffff  }
0x14d: {  	v46 =	vmul.bf16 v5, v6;
	v5 =	vld [tilespmem:$0x1FFC0]  }
0x14e: {  	v48 =	vld.idx.msk [tilespmem:v0+s28+$0xFFFFFED0 ss:$0x1], $0xffff  }
0x14f: {  	[tilespmem:$0x1FF60] =	vst v3;
	v3 =	vld.idx.msk [tilespmem:v0+s28+$0xFFFFFF40 ss:$0x1], $0xffff  }
0x150: {  	v49 =	vld.idx.msk [tilespmem:v1+s28+$0xFFFFFEC0 ss:$0x1], $0xffff  }
0x151: {  	v52 =	vmul.bf16 v51, v52;
	v45 =	vmul.bf16 v53, v54;
	v63 =	vld.idx.msk [tilespmem:v0+s28+$0xFFFFFEC0 ss:$0x1], $0xffff  }
0x152: {  	v34 =	vmul.bf16 v35, v34;
	v2 =	vadd.bf16 v56, v2;
	v56 =	vmul.bf16 v18, v5;
	v5 =	vld [tilespmem:$0x1FFD0]  }
0x153: {  	v55 =	vadd.bf16 v32, v33;
	v57 =	vunpack.i.u.bf16.f32 v40;
	v40 =	vunpack.i.l.bf16.f32 v40;
	v6 =	vld [tilespmem:$0x1FFE0]  }
0x154: {  	(xrf2) =	vadd.scan.msk.f32 $0xffff, v38;
	v40 =	vadd.f32 v40, v57;
	v38 =	vadd.bf16 v45, v2;
	v2 =	vmul.bf16 v4, v3  }
0x155: {  	v53 =	vmul.bf16 v60, v44;
	v22 =	vld.idx.msk [tilespmem:v1+s28+$0xFFFFFE30 ss:$0x1], $0xffff;
	v61 =	vadd.bf16 v52, v39;
	v52 =	vunpack.i.l.bf16.f32 v55  }
0x156: {  	v29 =	vld.idx.msk [tilespmem:v1+s28+$0xFFFFFEA0 ss:$0x1], $0xffff;
	(xrf2) =	vadd.scan.msk.f32 $0xffff, v40;
	v3 =	vunpack.i.u.bf16.f32 v55;
	v55 =	vmul.bf16 v50, v43;
	v2 =	vadd.bf16 v34, v2  }
0x157: {  	v32 =	vld.idx.msk [tilespmem:v1+s28+$0xFFFFFE20 ss:$0x1], $0xffff;
	v39 =	vadd.bf16 v62, v61  }
0x158: {  	v60 =	vadd.bf16 v53, v28;
	v33 =	vld.idx.msk [tilespmem:v0+s28+$0xFFFFFE20 ss:$0x1], $0xffff;
	v61 =	vmul.bf16 v5, v6;
	v2 =	vadd.bf16 v55, v2  }
0x159: {  	v48 =	vmul.bf16 v47, v48;
	v47 =	vld.idx.msk [tilespmem:v1+s28+$0xFFFFFE00 ss:$0x1], $0xffff;
	v62 =	vmul.bf16 v49, v63;
	v54 =	vunpack.i.u.bf16.f32 v39  }
0x15a: {  	v39 =	vunpack.i.l.bf16.f32 v39;
	v3 =	vadd.f32 v52, v3;
	v49 =	vadd.bf16 v61, v2;
	v2 =	vld [tilespmem:$0x1FFF0]  }
0x15b: {  	v58 =	vmul.bf16 v16, v17;
	v45 =	vld.idx.msk [tilespmem:v1+s28+$0xFFFFFE80 ss:$0x1], $0xffff;
	v57 =	vadd.f32 v39, v54;
	v38 =	vadd.bf16 v46, v38  }
0x15c: {  	v44 =	vmul.bf16 v12, v13;
	v28 =	vmul.bf16 v8, v9;
	v46 =	vld.idx.msk [tilespmem:v0+s28+$0xFFFFFE80 ss:$0x1], $0xffff;
	(xrf2) =	vadd.scan.msk.f32 $0xffff, v3  }
0x15d: {  	s20 =	smul.u32 $0x140, s25;
	v40 =	vld.idx.msk [tilespmem:v0+s28+$0xFFFFFE00 ss:$0x1], $0xffff;
	v43 =	vadd.bf16 v56, v60;
	v3 =	vunpack.i.u.bf16.f32 v38;
	v38 =	vunpack.i.l.bf16.f32 v38;
	(xrf2) =	vadd.scan.msk.f32 $0xffff, v57  }
0x15e: {  	v35 =	vadd.bf16 v48, v62;
	v48 =	vld.idx.msk [tilespmem:v1+s28+$0xFFFFFE40 ss:$0x1], $0xffff;
	v34 =	vmul.bf16 v14, v15;
	v3 =	vadd.f32 v38, v3  }
0x15f: {  	s0 =	sshrl.u32 s20, $0x2;
	v39 =	vld.idx.msk [tilespmem:v1+s28+$0xFFFFFE50 ss:$0x1], $0xffff;
	v15, _, _ =	vpop (xrf2);
	v63 =	vunpack.i.u.bf16.f32 v43;
	v43 =	vunpack.i.l.bf16.f32 v43;
	v51 =	vmul.bf16 v24, v2  }
0x160: {  	s30 =	smul.u32 $0x50, s29;
	s31 =	simm.s32 $0x2000;
	s29 =	sadd.s32 $0x1D6A0, s0;
	v4 =	vmul.bf16 v10, v11;
	v16, _, _ =	vpop (xrf2);
	v50 =	vadd.f32 v43, v63;
	v38 =	vld.idx.msk [tilespmem:v0+s28+$0xFFFFFE50 ss:$0x1], $0xffff;
	(xrf2) =	vadd.scan.msk.f32 $0xffff, v3;
	v43 =	vunpack.i.u.bf16.f32 v49  }
.LBB2_3:
0x161: {  	v57 =	vadd.bf16 v51, v35;
	v45 =	vmul.bf16 v45, v46;
	v36 =	vmul.bf16 v36, v37  }
0x162: {  	v24 =	vunpack.i.l.bf16.f32 v49;
	v26 =	vmul.bf16 v26, v27  }
0x163: {  	v29 =	vmul.bf16 v29, v30;
	v30 =	vadd.bf16 v44, v57;
	v27 =	vadd.bf16 v36, v45  }
0x164: {  	v10 =	vadd.f32 v24, v43  }
0x165: {  	v27 =	vadd.bf16 v29, v27;
	v29 =	vunpack.i.u.bf16.f32 v30;
	v30 =	vunpack.i.l.bf16.f32 v30  }
0x166: {  	v60, _, _ =	vpop (xrf2);
	(xrf2) =	vadd.scan.msk.f32 $0xffff, v50;
	v2 =	vadd.f32 v30, v29  }
0x167: {  	v3 =	vld [tilespmem:$0x1FF60];
	v24, _, _ =	vpop (xrf2);
	(xrf2) =	vadd.scan.msk.f32 $0xffff, v10  }
0x168: {  	(xrf2) =	vadd.scan.msk.f32 $0xffff, v2;
	v2 =	vld [tilespmem:$0x1FF50];
	_ =	sdelay $0x3  }
0x169: {  	v52 =	vld.idx.msk [tilespmem:v0+s28+$0xFFFFFE40 ss:$0x1], $0xffff  }
0x16a: {  	v17 =	vmul.bf16 v2, v3;
	v2 =	vld [tilespmem:$0x1FF30]  }
0x16b: {  	v3 =	vld [tilespmem:$0x1FF40]  }
0x16c: {  	v61 =	vld.idx.msk [tilespmem:v0+s28+$0xFFFFFE60 ss:$0x1], $0xffff  }
0x16d: {  	v62 =	vld.idx.msk [tilespmem:v0+s28+$0xFFFFFF00 ss:$0x1], $0xffff  }
0x16e: {  	v9 =	vld.idx.msk [tilespmem:v1+s28+$0xFFFFFE70 ss:$0x1], $0xffff;
	v63 =	vmul.bf16 v47, v40;
	v8 =	vmul.bf16 v41, v42  }
0x16f: {  	v11 =	vld.idx.msk [tilespmem:v0+s28+$0xFFFFFE70 ss:$0x1], $0xffff;
	v25 =	vmul.bf16 v21, v25  }
0x170: {  	v32 =	vmul.bf16 v32, v33;
	v37 =	vadd.bf16 v8, v63;
	v13 =	vmul.bf16 v2, v3;
	v2 =	vld [tilespmem:$0x1FF10]  }
0x171: {  	v45 =	vmul.bf16 v39, v38;
	v30 =	vmul.bf16 v48, v52;
	v3 =	vld [tilespmem:$0x1FF20]  }
0x172: {  	v22 =	vmul.bf16 v22, v23;
	v32 =	vadd.bf16 v32, v37;
	v25 =	vadd.bf16 v25, v27  }
0x173: {  	v23 =	vmul.bf16 v31, v61;
	v31 =	vld.idx.msk [tilespmem:v0+s28+$0xFFFFFF30 ss:$0x1], $0xffff;
	v21 =	vmul.bf16 v59, v62;
	v30 =	vadd.bf16 v45, v30  }
0x174: {  	v27 =	vld.idx.msk [tilespmem:v1+s28+$0xFFFFFF30 ss:$0x1], $0xffff;
	v22 =	vadd.bf16 v22, v32;
	v47 =	vunpack.i.u.bf16.f32 v25;
	v25 =	vunpack.i.l.bf16.f32 v25  }
0x175: {  	v48 =	vld.idx.msk [tilespmem:v0+s28+$0x80 ss:$0x1], $0xffff;
	v5 =	vadd.f32 v25, v47;
	v23 =	vadd.bf16 v23, v30;
	v30 =	vmul.bf16 v9, v11  }
0x176: {  	v21 =	vadd.bf16 v26, v21;
	v11 =	vmul.bf16 v2, v3;
	v2 =	vld [tilespmem:$0x1FF00]  }
0x177: {  	v29, _, _ =	vpop (xrf2);
	v50 =	vunpack.i.u.bf16.f32 v22;
	v22 =	vunpack.i.l.bf16.f32 v22;
	(xrf2) =	vadd.scan.msk.f32 $0xffff, v5;
	v5 =	vadd.bf16 v30, v23  }
0x178: {  	v22 =	vadd.f32 v22, v50;
	v17 =	vadd.bf16 v17, v21  }
0x179: {  	v21 =	vmul.bf16 v27, v31;
	v27 =	vunpack.i.u.bf16.f32 v5;
	v3 =	vunpack.i.l.bf16.f32 v5  }
0x17a: {  	v25, _, _ =	vpop (xrf2);
	(xrf2) =	vadd.scan.msk.f32 $0xffff, v22;
	v22 =	vadd.f32 v3, v27;
	v3 =	vld [tilespmem:$0x1FEF0]  }
0x17b: {  	v10 =	vmul.bf16 v2, v48;
	v2 =	vld [tilespmem:$0x1FEE0];
	_ =	sdelay $0x3  }
0x17c: {  	v26 =	vld.idx.msk [tilespmem:v0+s28+$0x140 ss:$0x1], $0xffff  }
0x17d: {  	v8 =	vmul.bf16 v2, v3;
	v2 =	vld [tilespmem:$0x1FED0]  }
0x17e: {  	v17 =	vadd.bf16 v21, v17  }
0x17f: {  	v49 =	vld.idx.msk [tilespmem:v1+s28+$0xFFFFFFF0 ss:$0x1], $0xffff  }
0x180: {  	v18 =	vld.idx.msk [tilespmem:v0+s28+$0xFFFFFFF0 ss:$0x1], $0xffff;
	v3 =	vunpack.i.u.bf16.f32 v17;
	v17 =	vunpack.i.l.bf16.f32 v17  }
0x181: {  	v17 =	vadd.f32 v17, v3;
	v3 =	vld [tilespmem:$0x1FEC0]  }
0x182: {  	v7 =	vmul.bf16 v2, v26;
	v2 =	vld [tilespmem:$0x1FEB0]  }
0x183: {  	v14 =	vld.idx.msk [tilespmem:v1+s28+$0xB0 ss:$0x1], $0xffff  }
0x184: {  	v12 =	vld.idx.msk [tilespmem:v0+s28+$0xB0 ss:$0x1], $0xffff;
	v13 =	vadd.bf16 v34, v13  }
0x185: {  	v9 =	vld.idx.msk [tilespmem:v0+s28+$0x170 ss:$0x1], $0xffff  }
0x186: {  	v30 =	vld.idx.msk [tilespmem:v0+s28+$0x1C0 ss:$0x1], $0xffff;
	v11 =	vadd.bf16 v11, v13;
	v13 =	vmul.bf16 v49, v18  }
0x187: {  	v10 =	vadd.bf16 v28, v10;
	v5 =	vmul.bf16 v2, v3;
	v2 =	vld [tilespmem:$0x1FEA0]  }
0x188: {  	v23, _, _ =	vpop (xrf2);
	v21 =	vld.idx.msk [tilespmem:v1+s28+$0x170 ss:$0x1], $0xffff;
	(xrf2) =	vadd.scan.msk.f32 $0xffff, v22;
	v11 =	vadd.bf16 v13, v11  }
0x189: {  	v14 =	vmul.bf16 v14, v12;
	v8 =	vadd.bf16 v8, v10  }
0x18a: {  	v6 =	vld.idx.msk [tilespmem:v0+s28+$0x1F0 ss:$0x1], $0xffff;
	v12 =	vunpack.i.u.bf16.f32 v11  }
0x18b: {  	v18, _, _ =	vpop (xrf2);
	v13 =	vld.idx.msk [tilespmem:v1+s28+$0x1F0 ss:$0x1], $0xffff;
	v11 =	vunpack.i.l.bf16.f32 v11;
	(xrf2) =	vadd.scan.msk.f32 $0xffff, v17;
	v8 =	vadd.bf16 v14, v8;
	v7 =	vadd.bf16 v4, v7  }
0x18c: {  	v11 =	vadd.f32 v11, v12;
	v4 =	vmul.bf16 v2, v30  }
0x18d: {  	v9 =	vmul.bf16 v21, v9;
	v3 =	vunpack.i.u.bf16.f32 v8;
	v5 =	vadd.bf16 v5, v7  }
0x18e: {  	v51, _, _ =	vpop (xrf2);
	(xrf2) =	vadd.scan.msk.f32 $0xffff, v11;
	v8 =	vunpack.i.l.bf16.f32 v8;
	v2 =	vmul.bf16 v19, v20;
	v4 =	vadd.bf16 v58, v4  }
0x18f: {  	v3 =	vadd.f32 v8, v3;
	v5 =	vadd.bf16 v9, v5  }
0x190: {  	v52 =	vmul.bf16 v13, v6;
	v2 =	vadd.bf16 v2, v4  }
0x191: {  	v7, _, _ =	vpop (xrf2);
	(xrf2) =	vadd.scan.msk.f32 $0xffff, v3;
	v6 =	vunpack.i.u.bf16.f32 v5;
	v5 =	vunpack.i.l.bf16.f32 v5  }
0x192: {  	v3 =	vadd.f32 v5, v6;
	v2 =	vadd.bf16 v52, v2;
	v4, _, _ =	vpop (xrf2)  }
0x193: {  	v53 =	vbroadcast v7, $0xF;
	v4 =	vbroadcast v4, $0xF  }
0x194: {  	v6 =	vbroadcast v51, $0xF;
	(xrf2) =	vadd.scan.msk.f32 $0xffff, v3;
	v7 =	vunpack.i.u.bf16.f32 v2  }
0x195: {  	v5, _, _ =	vpop (xrf2);
	v2 =	vunpack.i.l.bf16.f32 v2;
	v3 =	vsel vm0, v53, v4;
	v4 =	vbroadcast v18, $0xF  }
0x196: {  	v5 =	vbroadcast v5, $0xF;
	v2 =	vadd.f32 v2, v7;
	v3 =	vsel vm1, v3, v6  }
0x197: {  	v3 =	vsel vm2, v3, v4;
	v4 =	vbroadcast v23, $0xF  }
0x198: {  	v7 =	vbroadcast v25, $0xF;
	v6, _, _ =	vpop (xrf2);
	(xrf2) =	vadd.scan.msk.f32 $0xffff, v2;
	v3 =	vsel vm3, v3, v5  }
0x199: {  	v2 =	vsel vm4, v3, v4;
	v3 =	vbroadcast v6, $0xF  }
0x19a: {  	v4 =	vbroadcast v29, $0xF;
	v2 =	vsel vm5, v2, v7  }
0x19b: {  	v5, _, _ =	vpop (xrf2);
	v2 =	vsel vm6, v2, v3;
	v3 =	vbroadcast v24, $0xF  }
0x19c: {  	v2 =	vsel vm7, v2, v4;
	v4 =	vbroadcast v5, $0xF  }
0x19d: {  	v2 =	vsel vm8, v2, v3;
	v3 =	vbroadcast v60, $0xF  }
0x19e: {  	v5, _, _ =	vpop (xrf2);
	v2 =	vsel vm9, v2, v4;
	v4 =	vbroadcast v16, $0xF  }
0x19f: {  	v5 =	vbroadcast v5, $0xF;
	v2 =	vsel vm10, v2, v3  }
0x1a0: {  	v2 =	vsel vm11, v2, v4;
	v4 =	vbroadcast v15, $0xF  }
0x1a1: {  	v2 =	vsel vm12, v2, v5  }
0x1a2: {  	v3, _, _ =	vpop (xrf2);
	v2 =	vsel vm13, v2, v4  }
0x1a3: {  	s26 =	sadd.s32 $0x10, s26;
	v2 =	vsel vm14, v2, v3  }
0x1a4: {  	s28 =	sshra.s32 s31, $0x2;
	[tilespmem:s26+$0x0] =	vst v2  }
0x1a5: {  	v2 =	vld.idx.msk [tilespmem:v1+s28+$0x1E0 ss:$0x1], $0xffff  }
0x1a6: {  	v28 =	vld.idx.msk [tilespmem:v1+s28+$0x1B0 ss:$0x1], $0xffff  }
0x1a7: {  	v22 =	vld.idx.msk [tilespmem:v0+s28+$0x1B0 ss:$0x1], $0xffff  }
0x1a8: {  	v26 =	vld.idx.msk [tilespmem:v1+s28+$0x1A0 ss:$0x1], $0xffff  }
0x1a9: {  	v27 =	vld.idx.msk [tilespmem:v0+s28+$0x1A0 ss:$0x1], $0xffff  }
0x1aa: {  	v23 =	vld.idx.msk [tilespmem:v1+s28+$0x130 ss:$0x1], $0xffff  }
0x1ab: {  	v29 =	vld.idx.msk [tilespmem:v0+s28+$0x130 ss:$0x1], $0xffff  }
0x1ac: {  	v25 =	vld.idx.msk [tilespmem:v1+s28+$0x190 ss:$0x1], $0xffff  }
0x1ad: {  	v52 =	vld.idx.msk [tilespmem:v0+s28+$0x190 ss:$0x1], $0xffff  }
0x1ae: {  	v55 =	vld.idx.msk [tilespmem:v1+s28+$0x180 ss:$0x1], $0xffff  }
0x1af: {  	v57 =	vld.idx.msk [tilespmem:v0+s28+$0x180 ss:$0x1], $0xffff  }
0x1b0: {  	v30 =	vld.idx.msk [tilespmem:v1+s28+$0xF0 ss:$0x1], $0xffff  }
0x1b1: {  	v37 =	vld.idx.msk [tilespmem:v0+s28+$0xF0 ss:$0x1], $0xffff  }
0x1b2: {  	v49 =	vld.idx.msk [tilespmem:v1+s28+$0x120 ss:$0x1], $0xffff  }
0x1b3: {  	v50 =	vld.idx.msk [tilespmem:v0+s28+$0x120 ss:$0x1], $0xffff  }
0x1b4: {  	v31 =	vld.idx.msk [tilespmem:v0+s28+$0x150 ss:$0x1], $0xffff  }
0x1b5: {  	v47 =	vld.idx.msk [tilespmem:v1+s28+$0xE0 ss:$0x1], $0xffff  }
0x1b6: {  	v48 =	vld.idx.msk [tilespmem:v0+s28+$0xE0 ss:$0x1], $0xffff  }
0x1b7: {  	v58 =	vld.idx.msk [tilespmem:v1+s28+$0x110 ss:$0x1], $0xffff  }
0x1b8: {  	v59 =	vld.idx.msk [tilespmem:v0+s28+$0x110 ss:$0x1], $0xffff  }
0x1b9: {  	v60 =	vld.idx.msk [tilespmem:v1+s28+$0x100 ss:$0x1], $0xffff  }
0x1ba: {  	v61 =	vld.idx.msk [tilespmem:v0+s28+$0x100 ss:$0x1], $0xffff  }
0x1bb: {  	v32 =	vld.idx.msk [tilespmem:v1+s28+$0x70 ss:$0x1], $0xffff  }
0x1bc: {  	v33 =	vld.idx.msk [tilespmem:v0+s28+$0x70 ss:$0x1], $0xffff  }
0x1bd: {  	v62 =	vld.idx.msk [tilespmem:v1+s28+$0xD0 ss:$0x1], $0xffff  }
0x1be: {  	v63 =	vld.idx.msk [tilespmem:v0+s28+$0xD0 ss:$0x1], $0xffff  }
0x1bf: {  	v3 =	vld.idx.msk [tilespmem:v0+s28+$0xC0 ss:$0x1], $0xffff  }
0x1c0: {  	v34 =	vld.idx.msk [tilespmem:v1+s28+$0x30 ss:$0x1], $0xffff  }
0x1c1: {  	v36 =	vld.idx.msk [tilespmem:v0+s28+$0x30 ss:$0x1], $0xffff  }
0x1c2: {  	v51 =	vld.idx.msk [tilespmem:v1+s28+$0x60 ss:$0x1], $0xffff  }
0x1c3: {  	v53 =	vld.idx.msk [tilespmem:v0+s28+$0x60 ss:$0x1], $0xffff  }
0x1c4: {  	v4 =	vld.idx.msk [tilespmem:v1+s28+$0x90 ss:$0x1], $0xffff  }
0x1c5: {  	v45 =	vld.idx.msk [tilespmem:v1+s28+$0x20 ss:$0x1], $0xffff  }
0x1c6: {  	v46 =	vld.idx.msk [tilespmem:v0+s28+$0x20 ss:$0x1], $0xffff  }
0x1c7: {  	v5 =	vld.idx.msk [tilespmem:v0+s28+$0x50 ss:$0x1], $0xffff  }
0x1c8: {  	v6 =	vld.idx.msk [tilespmem:v1+s28+$0x40 ss:$0x1], $0xffff  }
0x1c9: {  	v7 =	vld.idx.msk [tilespmem:v0+s28+$0x40 ss:$0x1], $0xffff  }
0x1ca: {  	v41 =	vld.idx.msk [tilespmem:v1+s28+$0xFFFFFFB0 ss:$0x1], $0xffff  }
0x1cb: {  	[tilespmem:$0x1FD20] =	vst v2;
	v2 =	vld.idx.msk [tilespmem:v0+s28+$0x1E0 ss:$0x1], $0xffff  }
0x1cc: {  	v42 =	vld.idx.msk [tilespmem:v0+s28+$0xFFFFFFB0 ss:$0x1], $0xffff  }
0x1cd: {  	v54 =	vld.idx.msk [tilespmem:v1+s28+$0xFFFFFFE0 ss:$0x1], $0xffff  }
0x1ce: {  	v56 =	vld.idx.msk [tilespmem:v0+s28+$0xFFFFFFE0 ss:$0x1], $0xffff  }
0x1cf: {  	v8 =	vld.idx.msk [tilespmem:v1+s28+$0x10 ss:$0x1], $0xffff  }
0x1d0: {  	[tilespmem:$0x1FD10] =	vst v2;
	v2 =	vld.idx.msk [tilespmem:v1+s28+$0x1D0 ss:$0x1], $0xffff  }
0x1d1: {  	v9 =	vld.idx.msk [tilespmem:v0+s28+$0x10 ss:$0x1], $0xffff  }
0x1d2: {  	v10 =	vld.idx.msk [tilespmem:v1+s28+$0x0 ss:$0x1], $0xffff  }
0x1d3: {  	v11 =	vld.idx.msk [tilespmem:v0+s28+$0x0 ss:$0x1], $0xffff  }
0x1d4: {  	v39 =	vld.idx.msk [tilespmem:v1+s28+$0xFFFFFF70 ss:$0x1], $0xffff  }
0x1d5: {  	[tilespmem:$0x1FCE0] =	vst v2;
	v2 =	vld.idx.msk [tilespmem:v0+s28+$0x1D0 ss:$0x1], $0xffff  }
0x1d6: {  	v40 =	vld.idx.msk [tilespmem:v0+s28+$0xFFFFFF70 ss:$0x1], $0xffff  }
0x1d7: {  	v12 =	vld.idx.msk [tilespmem:v1+s28+$0xFFFFFFA0 ss:$0x1], $0xffff  }
0x1d8: {  	v13 =	vld.idx.msk [tilespmem:v0+s28+$0xFFFFFFA0 ss:$0x1], $0xffff  }
0x1d9: {  	v35 =	vld.idx.msk [tilespmem:v1+s28+$0xFFFFFFD0 ss:$0x1], $0xffff  }
0x1da: {  	[tilespmem:$0x1FCF0] =	vst v2;
	v2 =	vld.idx.msk [tilespmem:v1+s28+$0x1C0 ss:$0x1], $0xffff  }
0x1db: {  	v38 =	vld.idx.msk [tilespmem:v0+s28+$0xFFFFFFD0 ss:$0x1], $0xffff  }
0x1dc: {  	v14 =	vld.idx.msk [tilespmem:v1+s28+$0xFFFFFFC0 ss:$0x1], $0xffff  }
0x1dd: {  	v17 =	vld.idx.msk [tilespmem:v0+s28+$0xFFFFFF90 ss:$0x1], $0xffff  }
0x1de: {  	v15 =	vld.idx.msk [tilespmem:v1+s28+$0xFFFFFF80 ss:$0x1], $0xffff  }
0x1df: {  	[tilespmem:$0x1FEA0] =	vst v2;
	v2 =	vld.idx.msk [tilespmem:v1+s28+$0x160 ss:$0x1], $0xffff  }
0x1e0: {  	v16 =	vld.idx.msk [tilespmem:v0+s28+$0xFFFFFF80 ss:$0x1], $0xffff  }
0x1e1: {  	v43 =	vld.idx.msk [tilespmem:v1+s28+$0xFFFFFEF0 ss:$0x1], $0xffff  }
0x1e2: {  	v44 =	vld.idx.msk [tilespmem:v0+s28+$0xFFFFFEF0 ss:$0x1], $0xffff  }
0x1e3: {  	v18 =	vld.idx.msk [tilespmem:v1+s28+$0xFFFFFF20 ss:$0x1], $0xffff  }
0x1e4: {  	[tilespmem:$0x1FEB0] =	vst v2;
	v2 =	vld.idx.msk [tilespmem:v0+s28+$0x160 ss:$0x1], $0xffff  }
0x1e5: {  	v24 =	vld.idx.msk [tilespmem:v0+s28+$0xFFFFFF50 ss:$0x1], $0xffff  }
0x1e6: {  	v19 =	vld.idx.msk [tilespmem:v1+s28+$0xFFFFFF40 ss:$0x1], $0xffff  }
0x1e7: {  	v20 =	vld.idx.msk [tilespmem:v0+s28+$0xFFFFFF40 ss:$0x1], $0xffff  }
0x1e8: {  	v21 =	vld.idx.msk [tilespmem:v1+s28+$0xFFFFFEB0 ss:$0x1], $0xffff  }
0x1e9: {  	[tilespmem:$0x1FEC0] =	vst v2;
	v2 =	vld.idx.msk [tilespmem:v1+s28+$0x150 ss:$0x1], $0xffff  }
0x1ea: {  	[tilespmem:$0x1FD30] =	vst v4;
	v4 =	vld.idx.msk [tilespmem:v0+s28+$0x90 ss:$0x1], $0xffff  }
0x1eb: {  	[tilespmem:$0x1FF30] =	vst v14;
	v14 =	vld.idx.msk [tilespmem:v0+s28+$0xFFFFFFC0 ss:$0x1], $0xffff  }
0x1ec: {  	[tilespmem:$0x1FF10] =	vst v54;
	v54 =	vld.idx.msk [tilespmem:v1+s28+$0xFFFFFF60 ss:$0x1], $0xffff  }
0x1ed: {  	[tilespmem:$0x1FF20] =	vst v56;
	v56 =	vld.idx.msk [tilespmem:v0+s28+$0xFFFFFF60 ss:$0x1], $0xffff  }
0x1ee: {  	[tilespmem:$0x1FD00] =	vst v2;
	v2 =	vld.idx.msk [tilespmem:v1+s28+$0x140 ss:$0x1], $0xffff  }
0x1ef: {  	[tilespmem:$0x1FF50] =	vst v18;
	v18 =	vld.idx.msk [tilespmem:v0+s28+$0xFFFFFF20 ss:$0x1], $0xffff  }
0x1f0: {  	v52 =	vmul.bf16 v25, v52;
	v25 =	vld.idx.msk [tilespmem:v0+s28+$0xFFFFFEB0 ss:$0x1], $0xffff  }
0x1f1: {  	v55 =	vmul.bf16 v55, v57;
	v57 =	vld.idx.msk [tilespmem:v1+s28+$0xFFFFFEE0 ss:$0x1], $0xffff  }
0x1f2: {  	v27 =	vmul.bf16 v26, v27;
	v26 =	vld.idx.msk [tilespmem:v1+s28+$0xFFFFFF10 ss:$0x1], $0xffff  }
0x1f3: {  	[tilespmem:$0x1FED0] =	vst v2;
	v2 =	vld.idx.msk [tilespmem:v1+s28+$0xA0 ss:$0x1], $0xffff  }
0x1f4: {  	v58 =	vmul.bf16 v58, v59;
	v59 =	vld.idx.msk [tilespmem:v1+s28+$0xFFFFFF00 ss:$0x1], $0xffff  }
0x1f5: {  	[tilespmem:$0x1FD40] =	vst v4;
	v4 =	vld.idx.msk [tilespmem:v1+s28+$0x80 ss:$0x1], $0xffff  }
0x1f6: {  	v37 =	vmul.bf16 v30, v37;
	v30 =	vld.idx.msk [tilespmem:v0+s28+$0xFFFFFEA0 ss:$0x1], $0xffff  }
0x1f7: {  	v34 =	vmul.bf16 v34, v36;
	v36 =	vld.idx.msk [tilespmem:v1+s28+$0xFFFFFE90 ss:$0x1], $0xffff  }
0x1f8: {  	v60 =	vmul.bf16 v60, v61;
	[tilespmem:$0x1FEE0] =	vst v2;
	v2 =	vld.idx.msk [tilespmem:v0+s28+$0xA0 ss:$0x1], $0xffff  }
0x1f9: {  	v22 =	vmul.bf16 v28, v22;
	v52 =	vadd.bf16 v52, v55;
	v55 =	vld.idx.msk [tilespmem:v0+s28+$0xFFFFFEE0 ss:$0x1], $0xffff  }
0x1fa: {  	v49 =	vmul.bf16 v49, v50;
	v28 =	vadd.bf16 v58, v60;
	[tilespmem:$0x1FF00] =	vst v4;
	v4 =	vld.idx.msk [tilespmem:v1+s28+$0x50 ss:$0x1], $0xffff  }
0x1fb: {  	v52 =	vadd.bf16 v27, v52;
	v27 =	vld.idx.msk [tilespmem:v0+s28+$0xFFFFFF10 ss:$0x1], $0xffff  }
0x1fc: {  	v28 =	vadd.bf16 v49, v28;
	v49 =	vld.idx.msk [tilespmem:v1+s28+$0xFFFFFEC0 ss:$0x1], $0xffff  }
0x1fd: {  	[tilespmem:$0x1FEF0] =	vst v2;
	v2 =	vld.idx.msk [tilespmem:v1+s28+$0xC0 ss:$0x1], $0xffff  }
0x1fe: {  	[tilespmem:$0x1FF40] =	vst v14;
	v14 =	vld.idx.msk [tilespmem:v1+s28+$0xFFFFFF90 ss:$0x1], $0xffff  }
0x1ff: {  	v6 =	vmul.bf16 v6, v7;
	[tilespmem:$0x1FF60] =	vst v18;
	v18 =	vld.idx.msk [tilespmem:v1+s28+$0xFFFFFF50 ss:$0x1], $0xffff;
	v4 =	vmul.bf16 v4, v5  }
0x200: {  	v12 =	vmul.bf16 v12, v13;
	v13 =	vld [tilespmem:$0x1FD40]  }
0x201: {  	v6 =	vadd.bf16 v4, v6;
	v4 =	vld [tilespmem:$0x1FD00]  }
0x202: {  	v2 =	vmul.bf16 v2, v3;
	v3 =	vmul.bf16 v62, v63;
	v63 =	vadd.bf16 v22, v52;
	v22 =	vld.idx.msk [tilespmem:v1+s28+$0xFFFFFE30 ss:$0x1], $0xffff  }
0x203: {  	v52 =	vmul.bf16 v23, v29;
	v23 =	vld [tilespmem:$0x1FCE0]  }
0x204: {  	v29 =	vld [tilespmem:$0x1FCF0]  }
0x205: {  	v62 =	vmul.bf16 v51, v53;
	v53 =	vmul.bf16 v41, v42;
	v41 =	vld.idx.msk [tilespmem:v1+s28+$0xFFFFFE10 ss:$0x1], $0xffff  }
0x206: {  	v42 =	vld.idx.msk [tilespmem:v0+s28+$0xFFFFFE10 ss:$0x1], $0xffff  }
0x207: {  	v2 =	vadd.bf16 v3, v2;
	v3 =	vmul.bf16 v47, v48;
	v48 =	vld.idx.msk [tilespmem:v0+s28+$0xFFFFFED0 ss:$0x1], $0xffff  }
0x208: {  	v60 =	vunpack.i.u.bf16.f32 v63;
	v61 =	vunpack.i.l.bf16.f32 v63;
	v63 =	vmul.bf16 v45, v46;
	v45 =	vld.idx.msk [tilespmem:v1+s28+$0xFFFFFE80 ss:$0x1], $0xffff  }
0x209: {  	v10 =	vmul.bf16 v10, v11;
	v8 =	vmul.bf16 v8, v9;
	v28 =	vadd.bf16 v52, v28;
	v46 =	vld.idx.msk [tilespmem:v0+s28+$0xFFFFFE80 ss:$0x1], $0xffff  }
0x20a: {  	v50 =	vmul.bf16 v15, v16;
	v44 =	vmul.bf16 v43, v44;
	v47 =	vld.idx.msk [tilespmem:v1+s28+$0xFFFFFE00 ss:$0x1], $0xffff;
	v2 =	vadd.bf16 v3, v2  }
0x20b: {  	v4 =	vmul.bf16 v4, v31;
	v3 =	vld.idx.msk [tilespmem:v1+s28+$0xFFFFFED0 ss:$0x1], $0xffff;
	v5 =	vunpack.i.u.bf16.f32 v28;
	v7 =	vunpack.i.l.bf16.f32 v28  }
0x20c: {  	v28 =	vadd.f32 v61, v60;
	v58 =	vmul.bf16 v23, v29;
	v23 =	vld.idx.msk [tilespmem:v0+s28+$0xFFFFFE30 ss:$0x1], $0xffff;
	v2 =	vadd.bf16 v37, v2  }
0x20d: {  	v51 =	vmul.bf16 v14, v17;
	v6 =	vadd.bf16 v62, v6;
	v29 =	vld.idx.msk [tilespmem:v1+s28+$0xFFFFFEA0 ss:$0x1], $0xffff;
	v5 =	vadd.f32 v7, v5  }
0x20e: {  	v7 =	vld.idx.msk [tilespmem:v0+s28+$0xFFFFFEC0 ss:$0x1], $0xffff;
	(xrf2) =	vadd.scan.msk.f32 $0xffff, v28;
	v28 =	vmul.bf16 v32, v33;
	v31 =	vunpack.i.u.bf16.f32 v2;
	v2 =	vunpack.i.l.bf16.f32 v2  }
0x20f: {  	v32 =	vld.idx.msk [tilespmem:v1+s28+$0xFFFFFE20 ss:$0x1], $0xffff;
	(xrf2) =	vadd.scan.msk.f32 $0xffff, v5;
	v5 =	vadd.bf16 v8, v10;
	v2 =	vadd.f32 v2, v31  }
0x210: {  	v52 =	vmul.bf16 v18, v24;
	v33 =	vld.idx.msk [tilespmem:v0+s28+$0xFFFFFE20 ss:$0x1], $0xffff;
	v10 =	vadd.bf16 v51, v50;
	v6 =	vadd.bf16 v28, v6  }
0x211: {  	v37 =	vld.idx.msk [tilespmem:v0+s28+$0xFFFFFE90 ss:$0x1], $0xffff;
	v5 =	vadd.bf16 v63, v5;
	(xrf2) =	vadd.scan.msk.f32 $0xffff, v2;
	v2 =	vmul.bf16 v19, v20  }
0x212: {  	v31 =	vld.idx.msk [tilespmem:v1+s28+$0xFFFFFE60 ss:$0x1], $0xffff;
	v61 =	vadd.bf16 v12, v10;
	v14 =	vunpack.i.u.bf16.f32 v6;
	v6 =	vunpack.i.l.bf16.f32 v6  }
0x213: {  	v60 =	vmul.bf16 v54, v56;
	v12 =	vld [tilespmem:$0x1FD30];
	v6 =	vadd.f32 v6, v14;
	v2 =	vadd.bf16 v52, v2  }
0x214: {  	p1 =	sne.s32 s31, $0x4000;
	v51 =	vmul.bf16 v57, v55;
	v3 =	vmul.bf16 v3, v48;
	v48 =	vld.idx.msk [tilespmem:v1+s28+$0xFFFFFE40 ss:$0x1], $0xffff;
	v5 =	vadd.bf16 v34, v5  }
.Ltmp0:
0x215: {  	v7 =	vmul.bf16 v49, v7;
	v20 =	vld [tilespmem:$0x1FD10];
	(xrf2) =	vadd.scan.msk.f32 $0xffff, v6;
	v6 =	vmul.bf16 v39, v40;
	v2 =	vadd.bf16 v60, v2;
	(pc) =	sbr.rel @p1 .LBB2_3-.Ltmp0, $4  }
0x216: {  	v19 =	vld [tilespmem:$0x1FD20];
	v63 =	vadd.bf16 v53, v61;
	v62 =	vunpack.i.u.bf16.f32 v5;
	v5 =	vunpack.i.l.bf16.f32 v5  }
0x217: {  	v34 =	vmul.bf16 v35, v38;
	v38 =	vld.idx.msk [tilespmem:v0+s28+$0xFFFFFE50 ss:$0x1], $0xffff;
	v5 =	vadd.f32 v5, v62;
	v49 =	vadd.bf16 v6, v2  }
0x218: {  	v35 =	vadd.bf16 v3, v7;
	v40 =	vld.idx.msk [tilespmem:v0+s28+$0xFFFFFE00 ss:$0x1], $0xffff;
	v3 =	vunpack.i.l.bf16.f32 v63;
	v15, _, _ =	vpop (xrf2);
	v2 =	vunpack.i.u.bf16.f32 v63  }
0x219: {  	s31 =	sadd.s32 $0x1000, s31;
	v39 =	vld.idx.msk [tilespmem:v1+s28+$0xFFFFFE50 ss:$0x1], $0xffff;
	v28 =	vmul.bf16 v12, v13;
	v16, _, _ =	vpop (xrf2);
	(xrf2) =	vadd.scan.msk.f32 $0xffff, v5;
	v50 =	vadd.f32 v3, v2;
	v43 =	vunpack.i.u.bf16.f32 v49  }
0x21a: {  	_ =	sdelay $0x3  }
0x21b: {  	v6 =	vld.idx.msk [tilespmem:v0+s28+$0xFFFFFE40 ss:$0x1], $0xffff  }
0x21c: {  	v10 =	vld.idx.msk [tilespmem:v0+s28+$0xFFFFFE60 ss:$0x1], $0xffff  }
0x21d: {  	v11 =	vld.idx.msk [tilespmem:v0+s28+$0xFFFFFF00 ss:$0x1], $0xffff  }
0x21e: {  	v14 =	vld.idx.msk [tilespmem:v1+s28+$0xFFFFFE70 ss:$0x1], $0xffff  }
0x21f: {  	v17 =	vld.idx.msk [tilespmem:v0+s28+$0xFFFFFE70 ss:$0x1], $0xffff  }
0x220: {  	v18 =	vld.idx.msk [tilespmem:v0+s28+$0xFFFFFF30 ss:$0x1], $0xffff  }
0x221: {  	v2 =	vmul.bf16 v45, v46;
	v45 =	vld.idx.msk [tilespmem:v1+s28+$0xFFFFFFF0 ss:$0x1], $0xffff  }
0x222: {  	v9 =	vunpack.i.l.bf16.f32 v49;
	v49 =	vld.idx.msk [tilespmem:v0+s28+$0xFFFFFFF0 ss:$0x1], $0xffff  }
0x223: {  	v5 =	vadd.bf16 v51, v35;
	v51 =	vld.idx.msk [tilespmem:v0+s28+$0x140 ss:$0x1], $0xffff  }
0x224: {  	v52 =	vld [tilespmem:$0x1FF30]  }
0x225: {  	v53 =	vld [tilespmem:$0x1FF40]  }
0x226: {  	v3 =	vmul.bf16 v36, v37;
	v54 =	vld.idx.msk [tilespmem:v1+s28+$0xB0 ss:$0x1], $0xffff  }
0x227: {  	v7 =	vmul.bf16 v21, v25;
	v8 =	vmul.bf16 v26, v27;
	v55 =	vld [tilespmem:$0x1FF10]  }
0x228: {  	v30 =	vmul.bf16 v29, v30;
	v13 =	vmul.bf16 v41, v42;
	v56 =	vld [tilespmem:$0x1FF20]  }
0x229: {  	v36 =	vmul.bf16 v32, v33;
	v57 =	vld.idx.msk [tilespmem:v0+s28+$0xB0 ss:$0x1], $0xffff;
	v2 =	vadd.bf16 v3, v2;
	v5 =	vadd.bf16 v44, v5  }
0x22a: {  	v41 =	vmul.bf16 v22, v23;
	v60 =	vld.idx.msk [tilespmem:v0+s28+$0x1C0 ss:$0x1], $0xffff;
	v12 =	vmul.bf16 v47, v40  }
0x22b: {  	v62 =	vld [tilespmem:$0x1FF00];
	v9 =	vadd.f32 v9, v43;
	v2 =	vadd.bf16 v30, v2;
	v35 =	vunpack.i.u.bf16.f32 v5  }
0x22c: {  	v47 =	vld [tilespmem:$0x1FF50];
	v5 =	vunpack.i.l.bf16.f32 v5;
	v39 =	vmul.bf16 v39, v38;
	v12 =	vadd.bf16 v13, v12  }
0x22d: {  	v3 =	vadd.f32 v5, v35;
	v37 =	vmul.bf16 v48, v6;
	v10 =	vmul.bf16 v31, v10;
	v48 =	vld [tilespmem:$0x1FF60]  }
0x22e: {  	v23 =	vld [tilespmem:$0x1FEE0];
	v44 =	vmul.bf16 v59, v11;
	v2 =	vadd.bf16 v7, v2;
	v12 =	vadd.bf16 v36, v12  }
0x22f: {  	v40 =	vld.idx.msk [tilespmem:v1+s28+$0xFFFFFF30 ss:$0x1], $0xffff;
	v46 =	vmul.bf16 v14, v17;
	v22 =	vmul.bf16 v45, v49;
	v5 =	vadd.bf16 v39, v37  }
0x230: {  	v24 =	vld [tilespmem:$0x1FEF0];
	v6 =	vadd.bf16 v8, v44;
	v42 =	vunpack.i.u.bf16.f32 v2;
	v12 =	vadd.bf16 v41, v12  }
0x231: {  	v43 =	vld.idx.msk [tilespmem:v0+s28+$0x80 ss:$0x1], $0xffff;
	v2 =	vunpack.i.l.bf16.f32 v2;
	v5 =	vadd.bf16 v10, v5;
	v10 =	vmul.bf16 v52, v53  }
0x232: {  	v29 =	vld [tilespmem:$0x1FED0];
	(xrf2) =	vadd.scan.msk.f32 $0xffff, v50;
	v2 =	vadd.f32 v2, v42;
	v13 =	vmul.bf16 v47, v48;
	v50 =	vunpack.i.u.bf16.f32 v12  }
0x233: {  	v63 =	vld.idx.msk [tilespmem:v1+s28+$0x170 ss:$0x1], $0xffff;
	(xrf2) =	vadd.scan.msk.f32 $0xffff, v9;
	v12 =	vunpack.i.l.bf16.f32 v12;
	v5 =	vadd.bf16 v46, v5;
	v10 =	vadd.bf16 v34, v10  }
0x234: {  	(xrf2) =	vadd.scan.msk.f32 $0xffff, v3;
	v7 =	vmul.bf16 v40, v18;
	v3 =	vadd.f32 v12, v50;
	v6 =	vadd.bf16 v13, v6  }
0x235: {  	v33 =	vld [tilespmem:$0x1FEB0];
	v13 =	vmul.bf16 v55, v56;
	v59 =	vunpack.i.u.bf16.f32 v5;
	v5 =	vunpack.i.l.bf16.f32 v5  }
0x236: {  	(xrf2) =	vadd.scan.msk.f32 $0xffff, v2;
	v34 =	vld [tilespmem:$0x1FEC0];
	v2 =	vadd.f32 v5, v59;
	v61 =	vadd.bf16 v7, v6;
	v5 =	vmul.bf16 v62, v43  }
0x237: {  	v39 =	vld [tilespmem:$0x1FEA0];
	(xrf2) =	vadd.scan.msk.f32 $0xffff, v3;
	v21 =	vadd.bf16 v13, v10;
	v10 =	vmul.bf16 v23, v24;
	v7 =	vmul.bf16 v29, v51  }
0x238: {  	v25 =	vld.idx.msk [tilespmem:v0+s28+$0x170 ss:$0x1], $0xffff;
	v26 =	vunpack.i.u.bf16.f32 v61;
	v3 =	vunpack.i.l.bf16.f32 v61;
	v5 =	vadd.bf16 v28, v5;
	(xrf2) =	vadd.scan.msk.f32 $0xffff, v2  }
0x239: {  	v28 =	vadd.bf16 v22, v21;
	v27 =	vadd.f32 v3, v26  }
0x23a: {  	v30, _, _ =	vpop (xrf2);
	v31 =	vld.idx.msk [tilespmem:v1+s28+$0x1F0 ss:$0x1], $0xffff;
	v32 =	vmul.bf16 v54, v57;
	v4 =	vadd.bf16 v4, v7;
	v5 =	vadd.bf16 v10, v5  }
0x23b: {  	v35, _, _ =	vpop (xrf2);
	v36 =	vld.idx.msk [tilespmem:v0+s28+$0x1F0 ss:$0x1], $0xffff;
	v10 =	vmul.bf16 v33, v34;
	v37 =	vunpack.i.u.bf16.f32 v28;
	v3 =	vunpack.i.l.bf16.f32 v28;
	(xrf2) =	vadd.scan.msk.f32 $0xffff, v27  }
0x23c: {  	v38, _, _ =	vpop (xrf2);
	v7 =	vmul.bf16 v39, v60;
	v3 =	vadd.f32 v3, v37;
	v5 =	vadd.bf16 v32, v5  }
0x23d: {  	v40, _, _ =	vpop (xrf2);
	v6 =	vmul.bf16 v63, v25;
	v4 =	vadd.bf16 v10, v4  }
0x23e: {  	v42, _, _ =	vpop (xrf2);
	v7 =	vadd.bf16 v58, v7;
	(xrf2) =	vadd.scan.msk.f32 $0xffff, v3;
	v43 =	vunpack.i.u.bf16.f32 v5;
	v5 =	vunpack.i.l.bf16.f32 v5  }
0x23f: {  	v41 =	vmul.bf16 v19, v20;
	v44, _, _ =	vpop (xrf2);
	v4 =	vadd.bf16 v6, v4;
	v5 =	vadd.f32 v5, v43  }
0x240: {  	v0 =	vmul.bf16 v31, v36;
	v45, _, _ =	vpop (xrf2)  }
0x241: {  	v7 =	vadd.bf16 v41, v7;
	v46, _, _ =	vpop (xrf2);
	v47 =	vunpack.i.u.bf16.f32 v4;
	v4 =	vunpack.i.l.bf16.f32 v4;
	(xrf2) =	vadd.scan.msk.f32 $0xffff, v5  }
0x242: {  	v4 =	vadd.f32 v4, v47;
	v48, _, _ =	vpop (xrf2)  }
0x243: {  	v0 =	vadd.bf16 v0, v7;
	v1 =	vbroadcast v46, $0xF;
	v5 =	vbroadcast v48, $0xF  }
0x244: {  	v3 =	vbroadcast v44, $0xF;
	v6 =	vbroadcast v45, $0xF;
	(xrf2) =	vadd.scan.msk.f32 $0xffff, v4  }
0x245: {  	v7 =	vunpack.i.u.bf16.f32 v0;
	v0 =	vunpack.i.l.bf16.f32 v0;
	v1 =	vsel vm0, v1, v5;
	v49, _, _ =	vpop (xrf2)  }
0x246: {  	v0 =	vadd.f32 v0, v7;
	v1 =	vsel vm1, v1, v6;
	v4 =	vbroadcast v49, $0xF  }
0x247: {  	v50 =	vbroadcast v42, $0xF;
	v1 =	vsel vm2, v1, v3  }
0x248: {  	v51 =	vbroadcast v40, $0xF;
	(xrf2) =	vadd.scan.msk.f32 $0xffff, v0;
	v52, _, _ =	vpop (xrf2);
	v1 =	vsel vm3, v1, v4  }
0x249: {  	v54 =	vbroadcast v52, $0xF;
	v53 =	vsel vm4, v1, v50  }
0x24a: {  	v2 =	vbroadcast v38, $0xF;
	v0 =	vsel vm5, v53, v51  }
0x24b: {  	v55 =	vbroadcast v35, $0xF;
	v0 =	vsel vm6, v0, v54;
	v56, _, _ =	vpop (xrf2)  }
0x24c: {  	v0 =	vsel vm7, v0, v2;
	v57 =	vbroadcast v56, $0xF  }
0x24d: {  	v58 =	vbroadcast v30, $0xF;
	v0 =	vsel vm8, v0, v55  }
0x24e: {  	v59 =	vbroadcast v16, $0xF;
	v60, _, _ =	vpop (xrf2);
	v0 =	vsel vm9, v0, v57  }
0x24f: {  	v61 =	vbroadcast v60, $0xF;
	v0 =	vsel vm10, v0, v58  }
0x250: {  	p1 =	sne.s32 s24, $0x7D;
	v62 =	vbroadcast v15, $0xF;
	v0 =	vsel vm11, v0, v59  }
.Ltmp1:
0x251: {  	v0 =	vsel vm12, v0, v61;
	(pc) =	sbr.rel @p1 .LBB2_2-.Ltmp1, $4  }
0x252: {  	s0 =	sadd.s32 s6, s30;
	v63, _, _ =	vpop (xrf2);
	v0 =	vsel vm13, v0, v62  }
0x253: {  	s2 =	sadd.s32 $0x10, s26;
	s0 =	sshrl.u32 s0, $0x3;
	v0 =	vsel vm14, v0, v63  }
0x254: {  	s31 =	sadd.s32 $0x5, s25;
	p0 =	por !p0, !p0;
	s0 =	sadd.s32 s1, s0;
	[tilespmem:s2+$0x0] =	vst v0  }
0x255: {  	[hbm4b:s0+s5] =	stream.linear.scatter [tilespmem:s29], [sflag:s31], $0x50, $0x38;
	[tilespmem:$0x1D740] =	vst v63  }
0x256: {  	s23 =	sadd.s32 $0x1, s23  }
0x257: {  	_ =	swait.ge [sflag:s21], $0x50;
	p0 =	sne.s32 s23, s12  }
.Ltmp2:
0x258: {  	[sflag:s21] =	ssyncset.done $0x0;
	(pc) =	sbr.rel @p0 .LBB2_1-.Ltmp2, $4  }
0x259: {  	[sflag:s21] =	ssyncadd.s32 $0xFFFFFFB0  }
0x25a: {  	_ =	swait.ge [sflag:s22], $0x50  }
0x25b: {  	[sflag:s22] =	ssyncset.done $0x0  }
0x25c: {  	[sflag:s22] =	ssyncadd.s32 $0xFFFFFFB0  }
0x25d: {  	_ =	sfence.sel $0x180000  }
0x25e: {  	[bflag:$0x0] =	sbarrier.arrive $0xFFFF  }
0x25f: {  	_ =	strace $0x90000047  }
0x260: {  	s0 =	stileid.u32;
	[bflag:$0x2] =	sbarrier.arrive $0xFFFF  }
0x261: {  	p0 =	sne.s32 s0, $0x0;
	s0 =	rddreg [dreg:$0x6]  }
0x262: {  	s0 =	sadd.s32 @!p0 $0x100000, s0  }
0x263: {  	[sflag:s0] =	ssyncadd.tile.s32 @!p0 $0x1;
	_ =	shalt  }
.Lfunc_end2:
_tile_overlayer_lowered:
.L_overlay_start_2:
0x264: {  	(tag) =	ssettag $0x2  }
0x265: {  	s0 =	rddreg [dreg:$0x0];
	s2 =	stileid.u32  }
0x266: {  	s1 =	rddreg [dreg:$0x1];
	p0 =	sne.s32 s2, $0x0  }
0x267: {  	s3 =	rddreg [dreg:$0x2];
	[bflag:$0x3] =	sbarrier.arrive $0xFFFF;
	s2 =	simm.s32 @!p0 $0x1C07  }
0x268: {  	[timem:s3], [sflag:s2] =	dma.local @!p0 [hbm:s0], s1  }
0x269: {  	s0 =	simm.s32 @!p0 $0x7  }
0x26a: {  	_ =	swait.ge @!p0 [sflag:s0], s1  }
0x26b: {  	s1 =	ssub.s32 @!p0 $0x0, s1;
	[sflag:s0] =	ssyncset.done @!p0 $0x0  }
0x26c: {  	[sflag:s0] =	ssyncadd.s32 @!p0 s1  }
0x26d: {  	[bflag:$0x3] =	sbarrier.arrive $0xFFFF  }
0x26e: {  	_ =	shalt  }

</sc_bundles>
